<compile_context>
chip_gen: v7x
topology: tpu7x:2x2x1
jax: 0.10.2.dev20260603
libtpu: 0.0.44.dev20260713+nightly
codegen_flags: <defaults>
</compile_context>

<pallas_src>
import functools

import jax
import jax.numpy as jnp
from jax import lax
from jax.experimental import pallas as pl
from jax.experimental.pallas import tpu as pltpu
from jax.experimental.pallas import tpu_sc as plsc

VOCAB = 32000
HIDDEN = 2048
BATCH = 4
SEQ = 4096

NUM_CORES = 2
NUM_SUBCORES = 16
NUM_WORKERS = NUM_CORES * NUM_SUBCORES
ROWS = BATCH * SEQ
ROWS_PER_W = ROWS // NUM_WORKERS
CHUNK = 8
N_CHUNKS = ROWS_PER_W // CHUNK
NBUF = 4


def _make_gather():
  mesh = plsc.VectorSubcoreMesh(
      core_axis_name="c", subcore_axis_name="s",
      num_cores=NUM_CORES, num_subcores=NUM_SUBCORES)

  S_PER_W = ROWS_PER_W // BATCH

  @functools.partial(
      pl.kernel,
      out_type=jax.ShapeDtypeStruct((SEQ, BATCH, HIDDEN), jnp.float32),
      mesh=mesh,
      scratch_types=[
          pltpu.VMEM((ROWS_PER_W,), jnp.int32),
          [pltpu.VMEM((CHUNK, HIDDEN), jnp.float32) for _ in range(NBUF)],
          [pltpu.SemaphoreType.DMA for _ in range(NBUF)],
          [pltpu.SemaphoreType.DMA for _ in range(NBUF)],
      ],
  )
  def gather_kernel(idx_hbm, table_hbm, out_hbm, idx_v, bufs, gsems, wsems):
    wid = lax.axis_index("s") * NUM_CORES + lax.axis_index("c")
    base = wid * ROWS_PER_W
    s_base = wid * S_PER_W
    pltpu.sync_copy(idx_hbm.at[pl.ds(base, ROWS_PER_W)], idx_v)

    def gather_chunk(j, b):
      off = pl.multiple_of(j * CHUNK, CHUNK)
      return pltpu.make_async_copy(
          table_hbm.at[idx_v.at[pl.ds(off, CHUNK)]], bufs[b], gsems[b])

    def write_descs(j, b):
      s_off = s_base + j * (CHUNK // BATCH)
      return [
          pltpu.make_async_copy(
              bufs[b].at[pl.ds(k * BATCH, BATCH)], out_hbm.at[s_off + k],
              wsems[b])
          for k in range(CHUNK // BATCH)
      ]

    def write_chunk_start(j, b):
      for cp in write_descs(j, b):
        cp.start()

    def write_chunk_wait(j, b):
      for cp in write_descs(j, b):
        cp.wait()

    for b in range(NBUF):
      gather_chunk(b, b).start()

    def body(p, carry):
      for b in range(NBUF):
        j = p * NBUF + b
        gather_chunk(j, b).wait()
        write_chunk_start(j, b)
        write_chunk_wait(j, b)
        gather_chunk(j + NBUF, b).start()
      return carry

    lax.fori_loop(0, N_CHUNKS // NBUF - 1, body, 0)

    for b in range(NBUF):
      j = N_CHUNKS - NBUF + b
      gather_chunk(j, b).wait()
      write_chunk_start(j, b)
    for b in range(NBUF):
      write_chunk_wait(N_CHUNKS - NBUF + b, b)

  return gather_kernel


_gather = _make_gather()


def kernel(input_ids, W):
  idx = input_ids.T.reshape(-1).astype(jnp.int32)
  return _gather(idx, W)

# --- scband reference (transcript-rebuilt; emitter-appended) ---
"""Pipeline reference for scband-lla-ma-embedding-53772990546485 (READ-ONLY COPY).

The authoritative reference and input builder live on the scoring server;
editing this copy changes nothing except your own understanding.
"""

import jax, jax.numpy as jnp
import numpy as np

VOCAB = 32000
HIDDEN = 2048
BATCH = 4
SEQ = 4096


def setup_inputs(seed: int = 0) -> dict:
    key = jax.random.key(seed)
    k_ids, k_w = jax.random.split(key)
    input_ids = jax.random.randint(k_ids, (BATCH, SEQ), 0, VOCAB, dtype=jnp.int64 if jax.config.read('jax_enable_x64') else jnp.int32)
    W = jax.random.normal(k_w, (VOCAB, HIDDEN), dtype=jnp.float32) * 0.02
    return {"input_ids": input_ids, "W": W}


def reference(input_ids, W):
    # word_embeddings lookup: [B, S] -> [B, S, H]
    embeddings = jnp.take(W, input_ids, axis=0)
    # transpose(0, 1): [B, S, H] -> [S, B, H]
    embeddings = jnp.transpose(embeddings, (1, 0, 2))
    # dropout with p=0.0 (eval / identity)
    return embeddings

if __name__ == "__main__":
    import jax
    _d = setup_inputs()
    print(jax.jit(kernel)(*tuple(_d.values())))

</pallas_src>

<mosaic_0001>
#map = affine_map<(d0, d1) -> (0)>
#map1 = affine_map<(d0, d1) -> (0, 0)>
#map2 = affine_map<(d0, d1) -> (0, 0, 0)>
module attributes {stable_mosaic.version = 14 : i64} {
  func.func @gather_kernel(%arg0: i32, %arg1: i32, %arg2: memref<16384xi32, #tpu.memory_space<hbm>>, %arg3: memref<32000x2048xf32, #tpu.memory_space<hbm>>, %arg4: memref<4096x4x2048xf32, #tpu.memory_space<hbm>>, %arg5: memref<512xi32, #tpu.memory_space<vmem>>, %arg6: memref<8x2048xf32, #tpu.memory_space<vmem>>, %arg7: memref<8x2048xf32, #tpu.memory_space<vmem>>, %arg8: memref<8x2048xf32, #tpu.memory_space<vmem>>, %arg9: memref<8x2048xf32, #tpu.memory_space<vmem>>, %arg10: memref<!tpu.dma_semaphore, #tpu.memory_space<semaphore_mem>>, %arg11: memref<!tpu.dma_semaphore, #tpu.memory_space<semaphore_mem>>, %arg12: memref<!tpu.dma_semaphore, #tpu.memory_space<semaphore_mem>>, %arg13: memref<!tpu.dma_semaphore, #tpu.memory_space<semaphore_mem>>, %arg14: memref<!tpu.dma_semaphore, #tpu.memory_space<semaphore_mem>>, %arg15: memref<!tpu.dma_semaphore, #tpu.memory_space<semaphore_mem>>, %arg16: memref<!tpu.dma_semaphore, #tpu.memory_space<semaphore_mem>>, %arg17: memref<!tpu.dma_semaphore, #tpu.memory_space<semaphore_mem>>) attributes {dimension_semantics = [#tpu.dimension_semantics<core_parallel>, #tpu.dimension_semantics<subcore_parallel>], iteration_bounds = array<i64: 2, 16>, scalar_prefetch = 0 : i64, scratch_operands = 13 : i64, tpu.core_type = #tpu.core_type<sc_vector_subcore>, window_params = [{transform_indices = #map}, {transform_indices = #map1}, {transform_indices = #map2}]} {
    %mul3A = arith.constant 2 : i32
    %mul3A_0 = arith.muli %arg1, %mul3A : i32
    %add3A = arith.addi %mul3A_0, %arg0 : i32
    %mul3A_1 = arith.constant 512 : i32
    %mul3A_2 = arith.muli %add3A, %mul3A_1 : i32
    %mul3A_3 = arith.constant 128 : i32
    %mul3A_4 = arith.muli %add3A, %mul3A_3 : i32
    "tpu.region"() ({
      %run_scoped3A = tpu.sem_alloc : memref<!tpu.dma_semaphore, #tpu.memory_space<semaphore_mem>>
      %dma_start3A_327 = tpu.memref_slice %arg2[%mul3A_2] : memref<16384xi32, #tpu.memory_space<hbm>> -> memref<512xi32, #tpu.memory_space<hbm>>
      %dma_start3A_328 = tpu.memref_slice %arg2[%mul3A_2] : memref<16384xi32, #tpu.memory_space<hbm>> -> memref<512xi32, #tpu.memory_space<hbm>>
      tpu.enqueue_dma source(%dma_start3A_328 : memref<512xi32, #tpu.memory_space<hbm>>) target(%arg5 : memref<512xi32, #tpu.memory_space<vmem>>) target_semaphore(%run_scoped3A : memref<!tpu.dma_semaphore, #tpu.memory_space<semaphore_mem>>)
      %dma_wait3A_329 = tpu.memref_slice %arg2[%mul3A_2] : memref<16384xi32, #tpu.memory_space<hbm>> -> memref<512xi32, #tpu.memory_space<hbm>>
      %dma_wait3A_330 = tpu.memref_slice %arg2[%mul3A_2] : memref<16384xi32, #tpu.memory_space<hbm>> -> memref<512xi32, #tpu.memory_space<hbm>>
      tpu.wait_dma2 semaphore(%run_scoped3A : memref<!tpu.dma_semaphore, #tpu.memory_space<semaphore_mem>>) src(%dma_wait3A_330 : memref<512xi32, #tpu.memory_space<hbm>>) dst(%arg5 : memref<512xi32, #tpu.memory_space<vmem>>)
      tpu.yield
    }) : () -> ()
    %multiple_of3A = arith.constant 0 : i32
    %multiple_of3A_5 = tpu.assume_multiple %multiple_of3A, 8 : i32
    %dma_start3A = tpu.memref_slice %arg5[%multiple_of3A_5] : memref<512xi32, #tpu.memory_space<vmem>> -> memref<8xi32, #tpu.memory_space<vmem>>
    %dma_start3A_6 = arith.constant 0 : i32
    %dma_start3A_7 = arith.constant 0 : i32
    %dma_start3A_8 = tpu.memref_slice %arg3[%dma_start3A_6, %dma_start3A_7] : memref<32000x2048xf32, #tpu.memory_space<hbm>> -> memref<32000x2048xf32, #tpu.memory_space<hbm>>
    tpu.enqueue_indirect_dma source(%dma_start3A_8 : memref<32000x2048xf32, #tpu.memory_space<hbm>>) target(%arg6 : memref<8x2048xf32, #tpu.memory_space<vmem>>) offsets(%dma_start3A : memref<8xi32, #tpu.memory_space<vmem>>) semaphore(%arg10 : memref<!tpu.dma_semaphore, #tpu.memory_space<semaphore_mem>>)
    %multiple_of3A_9 = arith.constant 8 : i32
    %multiple_of3A_10 = tpu.assume_multiple %multiple_of3A_9, 8 : i32
    %dma_start3A_11 = tpu.memref_slice %arg5[%multiple_of3A_10] : memref<512xi32, #tpu.memory_space<vmem>> -> memref<8xi32, #tpu.memory_space<vmem>>
    %dma_start3A_12 = arith.constant 0 : i32
    %dma_start3A_13 = arith.constant 0 : i32
    %dma_start3A_14 = tpu.memref_slice %arg3[%dma_start3A_12, %dma_start3A_13] : memref<32000x2048xf32, #tpu.memory_space<hbm>> -> memref<32000x2048xf32, #tpu.memory_space<hbm>>
    tpu.enqueue_indirect_dma source(%dma_start3A_14 : memref<32000x2048xf32, #tpu.memory_space<hbm>>) target(%arg7 : memref<8x2048xf32, #tpu.memory_space<vmem>>) offsets(%dma_start3A_11 : memref<8xi32, #tpu.memory_space<vmem>>) semaphore(%arg11 : memref<!tpu.dma_semaphore, #tpu.memory_space<semaphore_mem>>)
    %multiple_of3A_15 = arith.constant 16 : i32
    %multiple_of3A_16 = tpu.assume_multiple %multiple_of3A_15, 8 : i32
    %dma_start3A_17 = tpu.memref_slice %arg5[%multiple_of3A_16] : memref<512xi32, #tpu.memory_space<vmem>> -> memref<8xi32, #tpu.memory_space<vmem>>
    %dma_start3A_18 = arith.constant 0 : i32
    %dma_start3A_19 = arith.constant 0 : i32
    %dma_start3A_20 = tpu.memref_slice %arg3[%dma_start3A_18, %dma_start3A_19] : memref<32000x2048xf32, #tpu.memory_space<hbm>> -> memref<32000x2048xf32, #tpu.memory_space<hbm>>
    tpu.enqueue_indirect_dma source(%dma_start3A_20 : memref<32000x2048xf32, #tpu.memory_space<hbm>>) target(%arg8 : memref<8x2048xf32, #tpu.memory_space<vmem>>) offsets(%dma_start3A_17 : memref<8xi32, #tpu.memory_space<vmem>>) semaphore(%arg12 : memref<!tpu.dma_semaphore, #tpu.memory_space<semaphore_mem>>)
    %multiple_of3A_21 = arith.constant 24 : i32
    %multiple_of3A_22 = tpu.assume_multiple %multiple_of3A_21, 8 : i32
    %dma_start3A_23 = tpu.memref_slice %arg5[%multiple_of3A_22] : memref<512xi32, #tpu.memory_space<vmem>> -> memref<8xi32, #tpu.memory_space<vmem>>
    %dma_start3A_24 = arith.constant 0 : i32
    %dma_start3A_25 = arith.constant 0 : i32
    %dma_start3A_26 = tpu.memref_slice %arg3[%dma_start3A_24, %dma_start3A_25] : memref<32000x2048xf32, #tpu.memory_space<hbm>> -> memref<32000x2048xf32, #tpu.memory_space<hbm>>
    tpu.enqueue_indirect_dma source(%dma_start3A_26 : memref<32000x2048xf32, #tpu.memory_space<hbm>>) target(%arg9 : memref<8x2048xf32, #tpu.memory_space<vmem>>) offsets(%dma_start3A_23 : memref<8xi32, #tpu.memory_space<vmem>>) semaphore(%arg13 : memref<!tpu.dma_semaphore, #tpu.memory_space<semaphore_mem>>)
    %scan3A = arith.constant 0 : i32
    %scan3A_27 = arith.constant 0 : i32
    %scan3A_28 = arith.constant 15 : i32
    %scan3A_29 = arith.addi %scan3A_27, %scan3A_28 : i32
    %scan3A_30 = arith.constant 1 : i32
    scf.for %scan3A_327 = %scan3A_27 to %scan3A_29 step %scan3A_30  : i32 {
      %mul3A_328 = arith.constant 4 : i32
      %mul3A_329 = arith.muli %scan3A_327, %mul3A_328 : i32
      %add3A_330 = arith.constant 0 : i32
      %add3A_331 = arith.addi %mul3A_329, %add3A_330 : i32
      %mul3A_332 = arith.constant 8 : i32
      %mul3A_333 = arith.muli %add3A_331, %mul3A_332 : i32
      %multiple_of3A_334 = tpu.assume_multiple %mul3A_333, 8 : i32
      %dma_wait3A_335 = tpu.memref_slice %arg5[%multiple_of3A_334] : memref<512xi32, #tpu.memory_space<vmem>> -> memref<8xi32, #tpu.memory_space<vmem>>
      %dma_wait3A_336 = arith.constant 0 : i32
      %dma_wait3A_337 = arith.constant 0 : i32
      %dma_wait3A_338 = tpu.memref_slice %arg3[%dma_wait3A_336, %dma_wait3A_337] : memref<32000x2048xf32, #tpu.memory_space<hbm>> -> memref<32000x2048xf32, #tpu.memory_space<hbm>>
      tpu.wait_indirect_dma semaphore(%arg10 : memref<!tpu.dma_semaphore, #tpu.memory_space<semaphore_mem>>) src(%dma_wait3A_338 : memref<32000x2048xf32, #tpu.memory_space<hbm>>) dst(%arg6 : memref<8x2048xf32, #tpu.memory_space<vmem>>)
      %mul3A_339 = arith.constant 2 : i32
      %mul3A_340 = arith.muli %add3A_331, %mul3A_339 : i32
      %add3A_341 = arith.addi %mul3A_4, %mul3A_340 : i32
      %add3A_342 = arith.constant 0 : i32
      %add3A_343 = arith.addi %add3A_341, %add3A_342 : i32
      %add3A_344 = arith.constant 1 : i32
      %add3A_345 = arith.addi %add3A_341, %add3A_344 : i32
      %dma_start3A_346 = arith.constant 0 : i32
      %dma_start3A_347 = arith.constant 0 : i32
      %dma_start3A_348 = tpu.memref_slice %arg6[%dma_start3A_346, %dma_start3A_347] : memref<8x2048xf32, #tpu.memory_space<vmem>> -> memref<4x2048xf32, #tpu.memory_space<vmem>>
      %dma_start3A_349 = arith.constant 0 : i32
      %dma_start3A_350 = arith.constant 0 : i32
      %dma_start3A_351 = tpu.memref_slice %arg4[%add3A_343, %dma_start3A_349, %dma_start3A_350] : memref<4096x4x2048xf32, #tpu.memory_space<hbm>> -> memref<1x4x2048xf32, #tpu.memory_space<hbm>>
      %dma_start3A_352 = tpu.memref_squeeze %dma_start3A_351 : memref<1x4x2048xf32, #tpu.memory_space<hbm>> -> memref<4x2048xf32, #tpu.memory_space<hbm>>
      %dma_start3A_353 = arith.constant 0 : i32
      %dma_start3A_354 = arith.constant 0 : i32
      %dma_start3A_355 = tpu.memref_slice %arg4[%add3A_343, %dma_start3A_353, %dma_start3A_354] : memref<4096x4x2048xf32, #tpu.memory_space<hbm>> -> memref<1x4x2048xf32, #tpu.memory_space<hbm>>
      %dma_start3A_356 = tpu.memref_squeeze %dma_start3A_355 : memref<1x4x2048xf32, #tpu.memory_space<hbm>> -> memref<4x2048xf32, #tpu.memory_space<hbm>>
      %dma_start3A_357 = arith.constant 0 : i32
      %dma_start3A_358 = arith.constant 0 : i32
      %dma_start3A_359 = tpu.memref_slice %arg6[%dma_start3A_357, %dma_start3A_358] : memref<8x2048xf32, #tpu.memory_space<vmem>> -> memref<4x2048xf32, #tpu.memory_space<vmem>>
      tpu.enqueue_dma source(%dma_start3A_359 : memref<4x2048xf32, #tpu.memory_space<vmem>>) target(%dma_start3A_356 : memref<4x2048xf32, #tpu.memory_space<hbm>>) target_semaphore(%arg14 : memref<!tpu.dma_semaphore, #tpu.memory_space<semaphore_mem>>)
      %dma_start3A_360 = arith.constant 4 : i32
      %dma_start3A_361 = arith.constant 0 : i32
      %dma_start3A_362 = tpu.memref_slice %arg6[%dma_start3A_360, %dma_start3A_361] : memref<8x2048xf32, #tpu.memory_space<vmem>> -> memref<4x2048xf32, #tpu.memory_space<vmem>>
      %dma_start3A_363 = arith.constant 0 : i32
      %dma_start3A_364 = arith.constant 0 : i32
      %dma_start3A_365 = tpu.memref_slice %arg4[%add3A_345, %dma_start3A_363, %dma_start3A_364] : memref<4096x4x2048xf32, #tpu.memory_space<hbm>> -> memref<1x4x2048xf32, #tpu.memory_space<hbm>>
      %dma_start3A_366 = tpu.memref_squeeze %dma_start3A_365 : memref<1x4x2048xf32, #tpu.memory_space<hbm>> -> memref<4x2048xf32, #tpu.memory_space<hbm>>
      %dma_start3A_367 = arith.constant 0 : i32
      %dma_start3A_368 = arith.constant 0 : i32
      %dma_start3A_369 = tpu.memref_slice %arg4[%add3A_345, %dma_start3A_367, %dma_start3A_368] : memref<4096x4x2048xf32, #tpu.memory_space<hbm>> -> memref<1x4x2048xf32, #tpu.memory_space<hbm>>
      %dma_start3A_370 = tpu.memref_squeeze %dma_start3A_369 : memref<1x4x2048xf32, #tpu.memory_space<hbm>> -> memref<4x2048xf32, #tpu.memory_space<hbm>>
      %dma_start3A_371 = arith.constant 4 : i32
      %dma_start3A_372 = arith.constant 0 : i32
      %dma_start3A_373 = tpu.memref_slice %arg6[%dma_start3A_371, %dma_start3A_372] : memref<8x2048xf32, #tpu.memory_space<vmem>> -> memref<4x2048xf32, #tpu.memory_space<vmem>>
      tpu.enqueue_dma source(%dma_start3A_373 : memref<4x2048xf32, #tpu.memory_space<vmem>>) target(%dma_start3A_370 : memref<4x2048xf32, #tpu.memory_space<hbm>>) target_semaphore(%arg14 : memref<!tpu.dma_semaphore, #tpu.memory_space<semaphore_mem>>)
      %mul3A_374 = arith.constant 2 : i32
      %mul3A_375 = arith.muli %add3A_331, %mul3A_374 : i32
      %add3A_376 = arith.addi %mul3A_4, %mul3A_375 : i32
      %add3A_377 = arith.constant 0 : i32
      %add3A_378 = arith.addi %add3A_376, %add3A_377 : i32
      %add3A_379 = arith.constant 1 : i32
      %add3A_380 = arith.addi %add3A_376, %add3A_379 : i32
      %dma_wait3A_381 = arith.constant 0 : i32
      %dma_wait3A_382 = arith.constant 0 : i32
      %dma_wait3A_383 = tpu.memref_slice %arg6[%dma_wait3A_381, %dma_wait3A_382] : memref<8x2048xf32, #tpu.memory_space<vmem>> -> memref<4x2048xf32, #tpu.memory_space<vmem>>
      %dma_wait3A_384 = arith.constant 0 : i32
      %dma_wait3A_385 = arith.constant 0 : i32
      %dma_wait3A_386 = tpu.memref_slice %arg4[%add3A_378, %dma_wait3A_384, %dma_wait3A_385] : memref<4096x4x2048xf32, #tpu.memory_space<hbm>> -> memref<1x4x2048xf32, #tpu.memory_space<hbm>>
      %dma_wait3A_387 = tpu.memref_squeeze %dma_wait3A_386 : memref<1x4x2048xf32, #tpu.memory_space<hbm>> -> memref<4x2048xf32, #tpu.memory_space<hbm>>
      %dma_wait3A_388 = arith.constant 0 : i32
      %dma_wait3A_389 = arith.constant 0 : i32
      %dma_wait3A_390 = tpu.memref_slice %arg4[%add3A_378, %dma_wait3A_388, %dma_wait3A_389] : memref<4096x4x2048xf32, #tpu.memory_space<hbm>> -> memref<1x4x2048xf32, #tpu.memory_space<hbm>>
      %dma_wait3A_391 = tpu.memref_squeeze %dma_wait3A_390 : memref<1x4x2048xf32, #tpu.memory_space<hbm>> -> memref<4x2048xf32, #tpu.memory_space<hbm>>
      %dma_wait3A_392 = arith.constant 0 : i32
      %dma_wait3A_393 = arith.constant 0 : i32
      %dma_wait3A_394 = tpu.memref_slice %arg6[%dma_wait3A_392, %dma_wait3A_393] : memref<8x2048xf32, #tpu.memory_space<vmem>> -> memref<4x2048xf32, #tpu.memory_space<vmem>>
      tpu.wait_dma2 semaphore(%arg14 : memref<!tpu.dma_semaphore, #tpu.memory_space<semaphore_mem>>) src(%dma_wait3A_394 : memref<4x2048xf32, #tpu.memory_space<vmem>>) dst(%dma_wait3A_391 : memref<4x2048xf32, #tpu.memory_space<hbm>>)
      %dma_wait3A_395 = arith.constant 4 : i32
      %dma_wait3A_396 = arith.constant 0 : i32
      %dma_wait3A_397 = tpu.memref_slice %arg6[%dma_wait3A_395, %dma_wait3A_396] : memref<8x2048xf32, #tpu.memory_space<vmem>> -> memref<4x2048xf32, #tpu.memory_space<vmem>>
      %dma_wait3A_398 = arith.constant 0 : i32
      %dma_wait3A_399 = arith.constant 0 : i32
      %dma_wait3A_400 = tpu.memref_slice %arg4[%add3A_380, %dma_wait3A_398, %dma_wait3A_399] : memref<4096x4x2048xf32, #tpu.memory_space<hbm>> -> memref<1x4x2048xf32, #tpu.memory_space<hbm>>
      %dma_wait3A_401 = tpu.memref_squeeze %dma_wait3A_400 : memref<1x4x2048xf32, #tpu.memory_space<hbm>> -> memref<4x2048xf32, #tpu.memory_space<hbm>>
      %dma_wait3A_402 = arith.constant 0 : i32
      %dma_wait3A_403 = arith.constant 0 : i32
      %dma_wait3A_404 = tpu.memref_slice %arg4[%add3A_380, %dma_wait3A_402, %dma_wait3A_403] : memref<4096x4x2048xf32, #tpu.memory_space<hbm>> -> memref<1x4x2048xf32, #tpu.memory_space<hbm>>
      %dma_wait3A_405 = tpu.memref_squeeze %dma_wait3A_404 : memref<1x4x2048xf32, #tpu.memory_space<hbm>> -> memref<4x2048xf32, #tpu.memory_space<hbm>>
      %dma_wait3A_406 = arith.constant 4 : i32
      %dma_wait3A_407 = arith.constant 0 : i32
      %dma_wait3A_408 = tpu.memref_slice %arg6[%dma_wait3A_406, %dma_wait3A_407] : memref<8x2048xf32, #tpu.memory_space<vmem>> -> memref<4x2048xf32, #tpu.memory_space<vmem>>
      tpu.wait_dma2 semaphore(%arg14 : memref<!tpu.dma_semaphore, #tpu.memory_space<semaphore_mem>>) src(%dma_wait3A_408 : memref<4x2048xf32, #tpu.memory_space<vmem>>) dst(%dma_wait3A_405 : memref<4x2048xf32, #tpu.memory_space<hbm>>)
      %add3A_409 = arith.constant 4 : i32
      %add3A_410 = arith.addi %add3A_331, %add3A_409 : i32
      %mul3A_411 = arith.constant 8 : i32
      %mul3A_412 = arith.muli %add3A_410, %mul3A_411 : i32
      %multiple_of3A_413 = tpu.assume_multiple %mul3A_412, 8 : i32
      %dma_start3A_414 = tpu.memref_slice %arg5[%multiple_of3A_413] : memref<512xi32, #tpu.memory_space<vmem>> -> memref<8xi32, #tpu.memory_space<vmem>>
      %dma_start3A_415 = arith.constant 0 : i32
      %dma_start3A_416 = arith.constant 0 : i32
      %dma_start3A_417 = tpu.memref_slice %arg3[%dma_start3A_415, %dma_start3A_416] : memref<32000x2048xf32, #tpu.memory_space<hbm>> -> memref<32000x2048xf32, #tpu.memory_space<hbm>>
      tpu.enqueue_indirect_dma source(%dma_start3A_417 : memref<32000x2048xf32, #tpu.memory_space<hbm>>) target(%arg6 : memref<8x2048xf32, #tpu.memory_space<vmem>>) offsets(%dma_start3A_414 : memref<8xi32, #tpu.memory_space<vmem>>) semaphore(%arg10 : memref<!tpu.dma_semaphore, #tpu.memory_space<semaphore_mem>>)
      %mul3A_418 = arith.constant 4 : i32
      %mul3A_419 = arith.muli %scan3A_327, %mul3A_418 : i32
      %add3A_420 = arith.constant 1 : i32
      %add3A_421 = arith.addi %mul3A_419, %add3A_420 : i32
      %mul3A_422 = arith.constant 8 : i32
      %mul3A_423 = arith.muli %add3A_421, %mul3A_422 : i32
      %multiple_of3A_424 = tpu.assume_multiple %mul3A_423, 8 : i32
      %dma_wait3A_425 = tpu.memref_slice %arg5[%multiple_of3A_424] : memref<512xi32, #tpu.memory_space<vmem>> -> memref<8xi32, #tpu.memory_space<vmem>>
      %dma_wait3A_426 = arith.constant 0 : i32
      %dma_wait3A_427 = arith.constant 0 : i32
      %dma_wait3A_428 = tpu.memref_slice %arg3[%dma_wait3A_426, %dma_wait3A_427] : memref<32000x2048xf32, #tpu.memory_space<hbm>> -> memref<32000x2048xf32, #tpu.memory_space<hbm>>
      tpu.wait_indirect_dma semaphore(%arg11 : memref<!tpu.dma_semaphore, #tpu.memory_space<semaphore_mem>>) src(%dma_wait3A_428 : memref<32000x2048xf32, #tpu.memory_space<hbm>>) dst(%arg7 : memref<8x2048xf32, #tpu.memory_space<vmem>>)
      %mul3A_429 = arith.constant 2 : i32
      %mul3A_430 = arith.muli %add3A_421, %mul3A_429 : i32
      %add3A_431 = arith.addi %mul3A_4, %mul3A_430 : i32
      %add3A_432 = arith.constant 0 : i32
      %add3A_433 = arith.addi %add3A_431, %add3A_432 : i32
      %add3A_434 = arith.constant 1 : i32
      %add3A_435 = arith.addi %add3A_431, %add3A_434 : i32
      %dma_start3A_436 = arith.constant 0 : i32
      %dma_start3A_437 = arith.constant 0 : i32
      %dma_start3A_438 = tpu.memref_slice %arg7[%dma_start3A_436, %dma_start3A_437] : memref<8x2048xf32, #tpu.memory_space<vmem>> -> memref<4x2048xf32, #tpu.memory_space<vmem>>
      %dma_start3A_439 = arith.constant 0 : i32
      %dma_start3A_440 = arith.constant 0 : i32
      %dma_start3A_441 = tpu.memref_slice %arg4[%add3A_433, %dma_start3A_439, %dma_start3A_440] : memref<4096x4x2048xf32, #tpu.memory_space<hbm>> -> memref<1x4x2048xf32, #tpu.memory_space<hbm>>
      %dma_start3A_442 = tpu.memref_squeeze %dma_start3A_441 : memref<1x4x2048xf32, #tpu.memory_space<hbm>> -> memref<4x2048xf32, #tpu.memory_space<hbm>>
      %dma_start3A_443 = arith.constant 0 : i32
      %dma_start3A_444 = arith.constant 0 : i32
      %dma_start3A_445 = tpu.memref_slice %arg4[%add3A_433, %dma_start3A_443, %dma_start3A_444] : memref<4096x4x2048xf32, #tpu.memory_space<hbm>> -> memref<1x4x2048xf32, #tpu.memory_space<hbm>>
      %dma_start3A_446 = tpu.memref_squeeze %dma_start3A_445 : memref<1x4x2048xf32, #tpu.memory_space<hbm>> -> memref<4x2048xf32, #tpu.memory_space<hbm>>
      %dma_start3A_447 = arith.constant 0 : i32
      %dma_start3A_448 = arith.constant 0 : i32
      %dma_start3A_449 = tpu.memref_slice %arg7[%dma_start3A_447, %dma_start3A_448] : memref<8x2048xf32, #tpu.memory_space<vmem>> -> memref<4x2048xf32, #tpu.memory_space<vmem>>
      tpu.enqueue_dma source(%dma_start3A_449 : memref<4x2048xf32, #tpu.memory_space<vmem>>) target(%dma_start3A_446 : memref<4x2048xf32, #tpu.memory_space<hbm>>) target_semaphore(%arg15 : memref<!tpu.dma_semaphore, #tpu.memory_space<semaphore_mem>>)
      %dma_start3A_450 = arith.constant 4 : i32
      %dma_start3A_451 = arith.constant 0 : i32
      %dma_start3A_452 = tpu.memref_slice %arg7[%dma_start3A_450, %dma_start3A_451] : memref<8x2048xf32, #tpu.memory_space<vmem>> -> memref<4x2048xf32, #tpu.memory_space<vmem>>
      %dma_start3A_453 = arith.constant 0 : i32
      %dma_start3A_454 = arith.constant 0 : i32
      %dma_start3A_455 = tpu.memref_slice %arg4[%add3A_435, %dma_start3A_453, %dma_start3A_454] : memref<4096x4x2048xf32, #tpu.memory_space<hbm>> -> memref<1x4x2048xf32, #tpu.memory_space<hbm>>
      %dma_start3A_456 = tpu.memref_squeeze %dma_start3A_455 : memref<1x4x2048xf32, #tpu.memory_space<hbm>> -> memref<4x2048xf32, #tpu.memory_space<hbm>>
      %dma_start3A_457 = arith.constant 0 : i32
      %dma_start3A_458 = arith.constant 0 : i32
      %dma_start3A_459 = tpu.memref_slice %arg4[%add3A_435, %dma_start3A_457, %dma_start3A_458] : memref<4096x4x2048xf32, #tpu.memory_space<hbm>> -> memref<1x4x2048xf32, #tpu.memory_space<hbm>>
      %dma_start3A_460 = tpu.memref_squeeze %dma_start3A_459 : memref<1x4x2048xf32, #tpu.memory_space<hbm>> -> memref<4x2048xf32, #tpu.memory_space<hbm>>
      %dma_start3A_461 = arith.constant 4 : i32
      %dma_start3A_462 = arith.constant 0 : i32
      %dma_start3A_463 = tpu.memref_slice %arg7[%dma_start3A_461, %dma_start3A_462] : memref<8x2048xf32, #tpu.memory_space<vmem>> -> memref<4x2048xf32, #tpu.memory_space<vmem>>
      tpu.enqueue_dma source(%dma_start3A_463 : memref<4x2048xf32, #tpu.memory_space<vmem>>) target(%dma_start3A_460 : memref<4x2048xf32, #tpu.memory_space<hbm>>) target_semaphore(%arg15 : memref<!tpu.dma_semaphore, #tpu.memory_space<semaphore_mem>>)
      %mul3A_464 = arith.constant 2 : i32
      %mul3A_465 = arith.muli %add3A_421, %mul3A_464 : i32
      %add3A_466 = arith.addi %mul3A_4, %mul3A_465 : i32
      %add3A_467 = arith.constant 0 : i32
      %add3A_468 = arith.addi %add3A_466, %add3A_467 : i32
      %add3A_469 = arith.constant 1 : i32
      %add3A_470 = arith.addi %add3A_466, %add3A_469 : i32
      %dma_wait3A_471 = arith.constant 0 : i32
      %dma_wait3A_472 = arith.constant 0 : i32
      %dma_wait3A_473 = tpu.memref_slice %arg7[%dma_wait3A_471, %dma_wait3A_472] : memref<8x2048xf32, #tpu.memory_space<vmem>> -> memref<4x2048xf32, #tpu.memory_space<vmem>>
      %dma_wait3A_474 = arith.constant 0 : i32
      %dma_wait3A_475 = arith.constant 0 : i32
      %dma_wait3A_476 = tpu.memref_slice %arg4[%add3A_468, %dma_wait3A_474, %dma_wait3A_475] : memref<4096x4x2048xf32, #tpu.memory_space<hbm>> -> memref<1x4x2048xf32, #tpu.memory_space<hbm>>
      %dma_wait3A_477 = tpu.memref_squeeze %dma_wait3A_476 : memref<1x4x2048xf32, #tpu.memory_space<hbm>> -> memref<4x2048xf32, #tpu.memory_space<hbm>>
      %dma_wait3A_478 = arith.constant 0 : i32
      %dma_wait3A_479 = arith.constant 0 : i32
      %dma_wait3A_480 = tpu.memref_slice %arg4[%add3A_468, %dma_wait3A_478, %dma_wait3A_479] : memref<4096x4x2048xf32, #tpu.memory_space<hbm>> -> memref<1x4x2048xf32, #tpu.memory_space<hbm>>
      %dma_wait3A_481 = tpu.memref_squeeze %dma_wait3A_480 : memref<1x4x2048xf32, #tpu.memory_space<hbm>> -> memref<4x2048xf32, #tpu.memory_space<hbm>>
      %dma_wait3A_482 = arith.constant 0 : i32
      %dma_wait3A_483 = arith.constant 0 : i32
      %dma_wait3A_484 = tpu.memref_slice %arg7[%dma_wait3A_482, %dma_wait3A_483] : memref<8x2048xf32, #tpu.memory_space<vmem>> -> memref<4x2048xf32, #tpu.memory_space<vmem>>
      tpu.wait_dma2 semaphore(%arg15 : memref<!tpu.dma_semaphore, #tpu.memory_space<semaphore_mem>>) src(%dma_wait3A_484 : memref<4x2048xf32, #tpu.memory_space<vmem>>) dst(%dma_wait3A_481 : memref<4x2048xf32, #tpu.memory_space<hbm>>)
      %dma_wait3A_485 = arith.constant 4 : i32
      %dma_wait3A_486 = arith.constant 0 : i32
      %dma_wait3A_487 = tpu.memref_slice %arg7[%dma_wait3A_485, %dma_wait3A_486] : memref<8x2048xf32, #tpu.memory_space<vmem>> -> memref<4x2048xf32, #tpu.memory_space<vmem>>
      %dma_wait3A_488 = arith.constant 0 : i32
      %dma_wait3A_489 = arith.constant 0 : i32
      %dma_wait3A_490 = tpu.memref_slice %arg4[%add3A_470, %dma_wait3A_488, %dma_wait3A_489] : memref<4096x4x2048xf32, #tpu.memory_space<hbm>> -> memref<1x4x2048xf32, #tpu.memory_space<hbm>>
      %dma_wait3A_491 = tpu.memref_squeeze %dma_wait3A_490 : memref<1x4x2048xf32, #tpu.memory_space<hbm>> -> memref<4x2048xf32, #tpu.memory_space<hbm>>
      %dma_wait3A_492 = arith.constant 0 : i32
      %dma_wait3A_493 = arith.constant 0 : i32
      %dma_wait3A_494 = tpu.memref_slice %arg4[%add3A_470, %dma_wait3A_492, %dma_wait3A_493] : memref<4096x4x2048xf32, #tpu.memory_space<hbm>> -> memref<1x4x2048xf32, #tpu.memory_space<hbm>>
      %dma_wait3A_495 = tpu.memref_squeeze %dma_wait3A_494 : memref<1x4x2048xf32, #tpu.memory_space<hbm>> -> memref<4x2048xf32, #tpu.memory_space<hbm>>
      %dma_wait3A_496 = arith.constant 4 : i32
      %dma_wait3A_497 = arith.constant 0 : i32
      %dma_wait3A_498 = tpu.memref_slice %arg7[%dma_wait3A_496, %dma_wait3A_497] : memref<8x2048xf32, #tpu.memory_space<vmem>> -> memref<4x2048xf32, #tpu.memory_space<vmem>>
      tpu.wait_dma2 semaphore(%arg15 : memref<!tpu.dma_semaphore, #tpu.memory_space<semaphore_mem>>) src(%dma_wait3A_498 : memref<4x2048xf32, #tpu.memory_space<vmem>>) dst(%dma_wait3A_495 : memref<4x2048xf32, #tpu.memory_space<hbm>>)
      %add3A_499 = arith.constant 4 : i32
      %add3A_500 = arith.addi %add3A_421, %add3A_499 : i32
      %mul3A_501 = arith.constant 8 : i32
      %mul3A_502 = arith.muli %add3A_500, %mul3A_501 : i32
      %multiple_of3A_503 = tpu.assume_multiple %mul3A_502, 8 : i32
      %dma_start3A_504 = tpu.memref_slice %arg5[%multiple_of3A_503] : memref<512xi32, #tpu.memory_space<vmem>> -> memref<8xi32, #tpu.memory_space<vmem>>
      %dma_start3A_505 = arith.constant 0 : i32
      %dma_start3A_506 = arith.constant 0 : i32
      %dma_start3A_507 = tpu.memref_slice %arg3[%dma_start3A_505, %dma_start3A_506] : memref<32000x2048xf32, #tpu.memory_space<hbm>> -> memref<32000x2048xf32, #tpu.memory_space<hbm>>
      tpu.enqueue_indirect_dma source(%dma_start3A_507 : memref<32000x2048xf32, #tpu.memory_space<hbm>>) target(%arg7 : memref<8x2048xf32, #tpu.memory_space<vmem>>) offsets(%dma_start3A_504 : memref<8xi32, #tpu.memory_space<vmem>>) semaphore(%arg11 : memref<!tpu.dma_semaphore, #tpu.memory_space<semaphore_mem>>)
      %mul3A_508 = arith.constant 4 : i32
      %mul3A_509 = arith.muli %scan3A_327, %mul3A_508 : i32
      %add3A_510 = arith.constant 2 : i32
      %add3A_511 = arith.addi %mul3A_509, %add3A_510 : i32
      %mul3A_512 = arith.constant 8 : i32
      %mul3A_513 = arith.muli %add3A_511, %mul3A_512 : i32
      %multiple_of3A_514 = tpu.assume_multiple %mul3A_513, 8 : i32
      %dma_wait3A_515 = tpu.memref_slice %arg5[%multiple_of3A_514] : memref<512xi32, #tpu.memory_space<vmem>> -> memref<8xi32, #tpu.memory_space<vmem>>
      %dma_wait3A_516 = arith.constant 0 : i32
      %dma_wait3A_517 = arith.constant 0 : i32
      %dma_wait3A_518 = tpu.memref_slice %arg3[%dma_wait3A_516, %dma_wait3A_517] : memref<32000x2048xf32, #tpu.memory_space<hbm>> -> memref<32000x2048xf32, #tpu.memory_space<hbm>>
      tpu.wait_indirect_dma semaphore(%arg12 : memref<!tpu.dma_semaphore, #tpu.memory_space<semaphore_mem>>) src(%dma_wait3A_518 : memref<32000x2048xf32, #tpu.memory_space<hbm>>) dst(%arg8 : memref<8x2048xf32, #tpu.memory_space<vmem>>)
      %mul3A_519 = arith.constant 2 : i32
      %mul3A_520 = arith.muli %add3A_511, %mul3A_519 : i32
      %add3A_521 = arith.addi %mul3A_4, %mul3A_520 : i32
      %add3A_522 = arith.constant 0 : i32
      %add3A_523 = arith.addi %add3A_521, %add3A_522 : i32
      %add3A_524 = arith.constant 1 : i32
      %add3A_525 = arith.addi %add3A_521, %add3A_524 : i32
      %dma_start3A_526 = arith.constant 0 : i32
      %dma_start3A_527 = arith.constant 0 : i32
      %dma_start3A_528 = tpu.memref_slice %arg8[%dma_start3A_526, %dma_start3A_527] : memref<8x2048xf32, #tpu.memory_space<vmem>> -> memref<4x2048xf32, #tpu.memory_space<vmem>>
      %dma_start3A_529 = arith.constant 0 : i32
      %dma_start3A_530 = arith.constant 0 : i32
      %dma_start3A_531 = tpu.memref_slice %arg4[%add3A_523, %dma_start3A_529, %dma_start3A_530] : memref<4096x4x2048xf32, #tpu.memory_space<hbm>> -> memref<1x4x2048xf32, #tpu.memory_space<hbm>>
      %dma_start3A_532 = tpu.memref_squeeze %dma_start3A_531 : memref<1x4x2048xf32, #tpu.memory_space<hbm>> -> memref<4x2048xf32, #tpu.memory_space<hbm>>
      %dma_start3A_533 = arith.constant 0 : i32
      %dma_start3A_534 = arith.constant 0 : i32
      %dma_start3A_535 = tpu.memref_slice %arg4[%add3A_523, %dma_start3A_533, %dma_start3A_534] : memref<4096x4x2048xf32, #tpu.memory_space<hbm>> -> memref<1x4x2048xf32, #tpu.memory_space<hbm>>
      %dma_start3A_536 = tpu.memref_squeeze %dma_start3A_535 : memref<1x4x2048xf32, #tpu.memory_space<hbm>> -> memref<4x2048xf32, #tpu.memory_space<hbm>>
      %dma_start3A_537 = arith.constant 0 : i32
      %dma_start3A_538 = arith.constant 0 : i32
      %dma_start3A_539 = tpu.memref_slice %arg8[%dma_start3A_537, %dma_start3A_538] : memref<8x2048xf32, #tpu.memory_space<vmem>> -> memref<4x2048xf32, #tpu.memory_space<vmem>>
      tpu.enqueue_dma source(%dma_start3A_539 : memref<4x2048xf32, #tpu.memory_space<vmem>>) target(%dma_start3A_536 : memref<4x2048xf32, #tpu.memory_space<hbm>>) target_semaphore(%arg16 : memref<!tpu.dma_semaphore, #tpu.memory_space<semaphore_mem>>)
      %dma_start3A_540 = arith.constant 4 : i32
      %dma_start3A_541 = arith.constant 0 : i32
      %dma_start3A_542 = tpu.memref_slice %arg8[%dma_start3A_540, %dma_start3A_541] : memref<8x2048xf32, #tpu.memory_space<vmem>> -> memref<4x2048xf32, #tpu.memory_space<vmem>>
      %dma_start3A_543 = arith.constant 0 : i32
      %dma_start3A_544 = arith.constant 0 : i32
      %dma_start3A_545 = tpu.memref_slice %arg4[%add3A_525, %dma_start3A_543, %dma_start3A_544] : memref<4096x4x2048xf32, #tpu.memory_space<hbm>> -> memref<1x4x2048xf32, #tpu.memory_space<hbm>>
      %dma_start3A_546 = tpu.memref_squeeze %dma_start3A_545 : memref<1x4x2048xf32, #tpu.memory_space<hbm>> -> memref<4x2048xf32, #tpu.memory_space<hbm>>
      %dma_start3A_547 = arith.constant 0 : i32
      %dma_start3A_548 = arith.constant 0 : i32
      %dma_start3A_549 = tpu.memref_slice %arg4[%add3A_525, %dma_start3A_547, %dma_start3A_548] : memref<4096x4x2048xf32, #tpu.memory_space<hbm>> -> memref<1x4x2048xf32, #tpu.memory_space<hbm>>
      %dma_start3A_550 = tpu.memref_squeeze %dma_start3A_549 : memref<1x4x2048xf32, #tpu.memory_space<hbm>> -> memref<4x2048xf32, #tpu.memory_space<hbm>>
      %dma_start3A_551 = arith.constant 4 : i32
      %dma_start3A_552 = arith.constant 0 : i32
      %dma_start3A_553 = tpu.memref_slice %arg8[%dma_start3A_551, %dma_start3A_552] : memref<8x2048xf32, #tpu.memory_space<vmem>> -> memref<4x2048xf32, #tpu.memory_space<vmem>>
      tpu.enqueue_dma source(%dma_start3A_553 : memref<4x2048xf32, #tpu.memory_space<vmem>>) target(%dma_start3A_550 : memref<4x2048xf32, #tpu.memory_space<hbm>>) target_semaphore(%arg16 : memref<!tpu.dma_semaphore, #tpu.memory_space<semaphore_mem>>)
      %mul3A_554 = arith.constant 2 : i32
      %mul3A_555 = arith.muli %add3A_511, %mul3A_554 : i32
      %add3A_556 = arith.addi %mul3A_4, %mul3A_555 : i32
      %add3A_557 = arith.constant 0 : i32
      %add3A_558 = arith.addi %add3A_556, %add3A_557 : i32
      %add3A_559 = arith.constant 1 : i32
      %add3A_560 = arith.addi %add3A_556, %add3A_559 : i32
      %dma_wait3A_561 = arith.constant 0 : i32
      %dma_wait3A_562 = arith.constant 0 : i32
      %dma_wait3A_563 = tpu.memref_slice %arg8[%dma_wait3A_561, %dma_wait3A_562] : memref<8x2048xf32, #tpu.memory_space<vmem>> -> memref<4x2048xf32, #tpu.memory_space<vmem>>
      %dma_wait3A_564 = arith.constant 0 : i32
      %dma_wait3A_565 = arith.constant 0 : i32
      %dma_wait3A_566 = tpu.memref_slice %arg4[%add3A_558, %dma_wait3A_564, %dma_wait3A_565] : memref<4096x4x2048xf32, #tpu.memory_space<hbm>> -> memref<1x4x2048xf32, #tpu.memory_space<hbm>>
      %dma_wait3A_567 = tpu.memref_squeeze %dma_wait3A_566 : memref<1x4x2048xf32, #tpu.memory_space<hbm>> -> memref<4x2048xf32, #tpu.memory_space<hbm>>
      %dma_wait3A_568 = arith.constant 0 : i32
      %dma_wait3A_569 = arith.constant 0 : i32
      %dma_wait3A_570 = tpu.memref_slice %arg4[%add3A_558, %dma_wait3A_568, %dma_wait3A_569] : memref<4096x4x2048xf32, #tpu.memory_space<hbm>> -> memref<1x4x2048xf32, #tpu.memory_space<hbm>>
      %dma_wait3A_571 = tpu.memref_squeeze %dma_wait3A_570 : memref<1x4x2048xf32, #tpu.memory_space<hbm>> -> memref<4x2048xf32, #tpu.memory_space<hbm>>
      %dma_wait3A_572 = arith.constant 0 : i32
      %dma_wait3A_573 = arith.constant 0 : i32
      %dma_wait3A_574 = tpu.memref_slice %arg8[%dma_wait3A_572, %dma_wait3A_573] : memref<8x2048xf32, #tpu.memory_space<vmem>> -> memref<4x2048xf32, #tpu.memory_space<vmem>>
      tpu.wait_dma2 semaphore(%arg16 : memref<!tpu.dma_semaphore, #tpu.memory_space<semaphore_mem>>) src(%dma_wait3A_574 : memref<4x2048xf32, #tpu.memory_space<vmem>>) dst(%dma_wait3A_571 : memref<4x2048xf32, #tpu.memory_space<hbm>>)
      %dma_wait3A_575 = arith.constant 4 : i32
      %dma_wait3A_576 = arith.constant 0 : i32
      %dma_wait3A_577 = tpu.memref_slice %arg8[%dma_wait3A_575, %dma_wait3A_576] : memref<8x2048xf32, #tpu.memory_space<vmem>> -> memref<4x2048xf32, #tpu.memory_space<vmem>>
      %dma_wait3A_578 = arith.constant 0 : i32
      %dma_wait3A_579 = arith.constant 0 : i32
      %dma_wait3A_580 = tpu.memref_slice %arg4[%add3A_560, %dma_wait3A_578, %dma_wait3A_579] : memref<4096x4x2048xf32, #tpu.memory_space<hbm>> -> memref<1x4x2048xf32, #tpu.memory_space<hbm>>
      %dma_wait3A_581 = tpu.memref_squeeze %dma_wait3A_580 : memref<1x4x2048xf32, #tpu.memory_space<hbm>> -> memref<4x2048xf32, #tpu.memory_space<hbm>>
      %dma_wait3A_582 = arith.constant 0 : i32
      %dma_wait3A_583 = arith.constant 0 : i32
      %dma_wait3A_584 = tpu.memref_slice %arg4[%add3A_560, %dma_wait3A_582, %dma_wait3A_583] : memref<4096x4x2048xf32, #tpu.memory_space<hbm>> -> memref<1x4x2048xf32, #tpu.memory_space<hbm>>
      %dma_wait3A_585 = tpu.memref_squeeze %dma_wait3A_584 : memref<1x4x2048xf32, #tpu.memory_space<hbm>> -> memref<4x2048xf32, #tpu.memory_space<hbm>>
      %dma_wait3A_586 = arith.constant 4 : i32
      %dma_wait3A_587 = arith.constant 0 : i32
      %dma_wait3A_588 = tpu.memref_slice %arg8[%dma_wait3A_586, %dma_wait3A_587] : memref<8x2048xf32, #tpu.memory_space<vmem>> -> memref<4x2048xf32, #tpu.memory_space<vmem>>
      tpu.wait_dma2 semaphore(%arg16 : memref<!tpu.dma_semaphore, #tpu.memory_space<semaphore_mem>>) src(%dma_wait3A_588 : memref<4x2048xf32, #tpu.memory_space<vmem>>) dst(%dma_wait3A_585 : memref<4x2048xf32, #tpu.memory_space<hbm>>)
      %add3A_589 = arith.constant 4 : i32
      %add3A_590 = arith.addi %add3A_511, %add3A_589 : i32
      %mul3A_591 = arith.constant 8 : i32
      %mul3A_592 = arith.muli %add3A_590, %mul3A_591 : i32
      %multiple_of3A_593 = tpu.assume_multiple %mul3A_592, 8 : i32
      %dma_start3A_594 = tpu.memref_slice %arg5[%multiple_of3A_593] : memref<512xi32, #tpu.memory_space<vmem>> -> memref<8xi32, #tpu.memory_space<vmem>>
      %dma_start3A_595 = arith.constant 0 : i32
      %dma_start3A_596 = arith.constant 0 : i32
      %dma_start3A_597 = tpu.memref_slice %arg3[%dma_start3A_595, %dma_start3A_596] : memref<32000x2048xf32, #tpu.memory_space<hbm>> -> memref<32000x2048xf32, #tpu.memory_space<hbm>>
      tpu.enqueue_indirect_dma source(%dma_start3A_597 : memref<32000x2048xf32, #tpu.memory_space<hbm>>) target(%arg8 : memref<8x2048xf32, #tpu.memory_space<vmem>>) offsets(%dma_start3A_594 : memref<8xi32, #tpu.memory_space<vmem>>) semaphore(%arg12 : memref<!tpu.dma_semaphore, #tpu.memory_space<semaphore_mem>>)
      %mul3A_598 = arith.constant 4 : i32
      %mul3A_599 = arith.muli %scan3A_327, %mul3A_598 : i32
      %add3A_600 = arith.constant 3 : i32
      %add3A_601 = arith.addi %mul3A_599, %add3A_600 : i32
      %mul3A_602 = arith.constant 8 : i32
      %mul3A_603 = arith.muli %add3A_601, %mul3A_602 : i32
      %multiple_of3A_604 = tpu.assume_multiple %mul3A_603, 8 : i32
      %dma_wait3A_605 = tpu.memref_slice %arg5[%multiple_of3A_604] : memref<512xi32, #tpu.memory_space<vmem>> -> memref<8xi32, #tpu.memory_space<vmem>>
      %dma_wait3A_606 = arith.constant 0 : i32
      %dma_wait3A_607 = arith.constant 0 : i32
      %dma_wait3A_608 = tpu.memref_slice %arg3[%dma_wait3A_606, %dma_wait3A_607] : memref<32000x2048xf32, #tpu.memory_space<hbm>> -> memref<32000x2048xf32, #tpu.memory_space<hbm>>
      tpu.wait_indirect_dma semaphore(%arg13 : memref<!tpu.dma_semaphore, #tpu.memory_space<semaphore_mem>>) src(%dma_wait3A_608 : memref<32000x2048xf32, #tpu.memory_space<hbm>>) dst(%arg9 : memref<8x2048xf32, #tpu.memory_space<vmem>>)
      %mul3A_609 = arith.constant 2 : i32
      %mul3A_610 = arith.muli %add3A_601, %mul3A_609 : i32
      %add3A_611 = arith.addi %mul3A_4, %mul3A_610 : i32
      %add3A_612 = arith.constant 0 : i32
      %add3A_613 = arith.addi %add3A_611, %add3A_612 : i32
      %add3A_614 = arith.constant 1 : i32
      %add3A_615 = arith.addi %add3A_611, %add3A_614 : i32
      %dma_start3A_616 = arith.constant 0 : i32
      %dma_start3A_617 = arith.constant 0 : i32
      %dma_start3A_618 = tpu.memref_slice %arg9[%dma_start3A_616, %dma_start3A_617] : memref<8x2048xf32, #tpu.memory_space<vmem>> -> memref<4x2048xf32, #tpu.memory_space<vmem>>
      %dma_start3A_619 = arith.constant 0 : i32
      %dma_start3A_620 = arith.constant 0 : i32
      %dma_start3A_621 = tpu.memref_slice %arg4[%add3A_613, %dma_start3A_619, %dma_start3A_620] : memref<4096x4x2048xf32, #tpu.memory_space<hbm>> -> memref<1x4x2048xf32, #tpu.memory_space<hbm>>
      %dma_start3A_622 = tpu.memref_squeeze %dma_start3A_621 : memref<1x4x2048xf32, #tpu.memory_space<hbm>> -> memref<4x2048xf32, #tpu.memory_space<hbm>>
      %dma_start3A_623 = arith.constant 0 : i32
      %dma_start3A_624 = arith.constant 0 : i32
      %dma_start3A_625 = tpu.memref_slice %arg4[%add3A_613, %dma_start3A_623, %dma_start3A_624] : memref<4096x4x2048xf32, #tpu.memory_space<hbm>> -> memref<1x4x2048xf32, #tpu.memory_space<hbm>>
      %dma_start3A_626 = tpu.memref_squeeze %dma_start3A_625 : memref<1x4x2048xf32, #tpu.memory_space<hbm>> -> memref<4x2048xf32, #tpu.memory_space<hbm>>
      %dma_start3A_627 = arith.constant 0 : i32
      %dma_start3A_628 = arith.constant 0 : i32
      %dma_start3A_629 = tpu.memref_slice %arg9[%dma_start3A_627, %dma_start3A_628] : memref<8x2048xf32, #tpu.memory_space<vmem>> -> memref<4x2048xf32, #tpu.memory_space<vmem>>
      tpu.enqueue_dma source(%dma_start3A_629 : memref<4x2048xf32, #tpu.memory_space<vmem>>) target(%dma_start3A_626 : memref<4x2048xf32, #tpu.memory_space<hbm>>) target_semaphore(%arg17 : memref<!tpu.dma_semaphore, #tpu.memory_space<semaphore_mem>>)
      %dma_start3A_630 = arith.constant 4 : i32
      %dma_start3A_631 = arith.constant 0 : i32
      %dma_start3A_632 = tpu.memref_slice %arg9[%dma_start3A_630, %dma_start3A_631] : memref<8x2048xf32, #tpu.memory_space<vmem>> -> memref<4x2048xf32, #tpu.memory_space<vmem>>
      %dma_start3A_633 = arith.constant 0 : i32
      %dma_start3A_634 = arith.constant 0 : i32
      %dma_start3A_635 = tpu.memref_slice %arg4[%add3A_615, %dma_start3A_633, %dma_start3A_634] : memref<4096x4x2048xf32, #tpu.memory_space<hbm>> -> memref<1x4x2048xf32, #tpu.memory_space<hbm>>
      %dma_start3A_636 = tpu.memref_squeeze %dma_start3A_635 : memref<1x4x2048xf32, #tpu.memory_space<hbm>> -> memref<4x2048xf32, #tpu.memory_space<hbm>>
      %dma_start3A_637 = arith.constant 0 : i32
      %dma_start3A_638 = arith.constant 0 : i32
      %dma_start3A_639 = tpu.memref_slice %arg4[%add3A_615, %dma_start3A_637, %dma_start3A_638] : memref<4096x4x2048xf32, #tpu.memory_space<hbm>> -> memref<1x4x2048xf32, #tpu.memory_space<hbm>>
      %dma_start3A_640 = tpu.memref_squeeze %dma_start3A_639 : memref<1x4x2048xf32, #tpu.memory_space<hbm>> -> memref<4x2048xf32, #tpu.memory_space<hbm>>
      %dma_start3A_641 = arith.constant 4 : i32
      %dma_start3A_642 = arith.constant 0 : i32
      %dma_start3A_643 = tpu.memref_slice %arg9[%dma_start3A_641, %dma_start3A_642] : memref<8x2048xf32, #tpu.memory_space<vmem>> -> memref<4x2048xf32, #tpu.memory_space<vmem>>
      tpu.enqueue_dma source(%dma_start3A_643 : memref<4x2048xf32, #tpu.memory_space<vmem>>) target(%dma_start3A_640 : memref<4x2048xf32, #tpu.memory_space<hbm>>) target_semaphore(%arg17 : memref<!tpu.dma_semaphore, #tpu.memory_space<semaphore_mem>>)
      %mul3A_644 = arith.constant 2 : i32
      %mul3A_645 = arith.muli %add3A_601, %mul3A_644 : i32
      %add3A_646 = arith.addi %mul3A_4, %mul3A_645 : i32
      %add3A_647 = arith.constant 0 : i32
      %add3A_648 = arith.addi %add3A_646, %add3A_647 : i32
      %add3A_649 = arith.constant 1 : i32
      %add3A_650 = arith.addi %add3A_646, %add3A_649 : i32
      %dma_wait3A_651 = arith.constant 0 : i32
      %dma_wait3A_652 = arith.constant 0 : i32
      %dma_wait3A_653 = tpu.memref_slice %arg9[%dma_wait3A_651, %dma_wait3A_652] : memref<8x2048xf32, #tpu.memory_space<vmem>> -> memref<4x2048xf32, #tpu.memory_space<vmem>>
      %dma_wait3A_654 = arith.constant 0 : i32
      %dma_wait3A_655 = arith.constant 0 : i32
      %dma_wait3A_656 = tpu.memref_slice %arg4[%add3A_648, %dma_wait3A_654, %dma_wait3A_655] : memref<4096x4x2048xf32, #tpu.memory_space<hbm>> -> memref<1x4x2048xf32, #tpu.memory_space<hbm>>
      %dma_wait3A_657 = tpu.memref_squeeze %dma_wait3A_656 : memref<1x4x2048xf32, #tpu.memory_space<hbm>> -> memref<4x2048xf32, #tpu.memory_space<hbm>>
      %dma_wait3A_658 = arith.constant 0 : i32
      %dma_wait3A_659 = arith.constant 0 : i32
      %dma_wait3A_660 = tpu.memref_slice %arg4[%add3A_648, %dma_wait3A_658, %dma_wait3A_659] : memref<4096x4x2048xf32, #tpu.memory_space<hbm>> -> memref<1x4x2048xf32, #tpu.memory_space<hbm>>
      %dma_wait3A_661 = tpu.memref_squeeze %dma_wait3A_660 : memref<1x4x2048xf32, #tpu.memory_space<hbm>> -> memref<4x2048xf32, #tpu.memory_space<hbm>>
      %dma_wait3A_662 = arith.constant 0 : i32
      %dma_wait3A_663 = arith.constant 0 : i32
      %dma_wait3A_664 = tpu.memref_slice %arg9[%dma_wait3A_662, %dma_wait3A_663] : memref<8x2048xf32, #tpu.memory_space<vmem>> -> memref<4x2048xf32, #tpu.memory_space<vmem>>
      tpu.wait_dma2 semaphore(%arg17 : memref<!tpu.dma_semaphore, #tpu.memory_space<semaphore_mem>>) src(%dma_wait3A_664 : memref<4x2048xf32, #tpu.memory_space<vmem>>) dst(%dma_wait3A_661 : memref<4x2048xf32, #tpu.memory_space<hbm>>)
      %dma_wait3A_665 = arith.constant 4 : i32
      %dma_wait3A_666 = arith.constant 0 : i32
      %dma_wait3A_667 = tpu.memref_slice %arg9[%dma_wait3A_665, %dma_wait3A_666] : memref<8x2048xf32, #tpu.memory_space<vmem>> -> memref<4x2048xf32, #tpu.memory_space<vmem>>
      %dma_wait3A_668 = arith.constant 0 : i32
      %dma_wait3A_669 = arith.constant 0 : i32
      %dma_wait3A_670 = tpu.memref_slice %arg4[%add3A_650, %dma_wait3A_668, %dma_wait3A_669] : memref<4096x4x2048xf32, #tpu.memory_space<hbm>> -> memref<1x4x2048xf32, #tpu.memory_space<hbm>>
      %dma_wait3A_671 = tpu.memref_squeeze %dma_wait3A_670 : memref<1x4x2048xf32, #tpu.memory_space<hbm>> -> memref<4x2048xf32, #tpu.memory_space<hbm>>
      %dma_wait3A_672 = arith.constant 0 : i32
      %dma_wait3A_673 = arith.constant 0 : i32
      %dma_wait3A_674 = tpu.memref_slice %arg4[%add3A_650, %dma_wait3A_672, %dma_wait3A_673] : memref<4096x4x2048xf32, #tpu.memory_space<hbm>> -> memref<1x4x2048xf32, #tpu.memory_space<hbm>>
      %dma_wait3A_675 = tpu.memref_squeeze %dma_wait3A_674 : memref<1x4x2048xf32, #tpu.memory_space<hbm>> -> memref<4x2048xf32, #tpu.memory_space<hbm>>
      %dma_wait3A_676 = arith.constant 4 : i32
      %dma_wait3A_677 = arith.constant 0 : i32
      %dma_wait3A_678 = tpu.memref_slice %arg9[%dma_wait3A_676, %dma_wait3A_677] : memref<8x2048xf32, #tpu.memory_space<vmem>> -> memref<4x2048xf32, #tpu.memory_space<vmem>>
      tpu.wait_dma2 semaphore(%arg17 : memref<!tpu.dma_semaphore, #tpu.memory_space<semaphore_mem>>) src(%dma_wait3A_678 : memref<4x2048xf32, #tpu.memory_space<vmem>>) dst(%dma_wait3A_675 : memref<4x2048xf32, #tpu.memory_space<hbm>>)
      %add3A_679 = arith.constant 4 : i32
      %add3A_680 = arith.addi %add3A_601, %add3A_679 : i32
      %mul3A_681 = arith.constant 8 : i32
      %mul3A_682 = arith.muli %add3A_680, %mul3A_681 : i32
      %multiple_of3A_683 = tpu.assume_multiple %mul3A_682, 8 : i32
      %dma_start3A_684 = tpu.memref_slice %arg5[%multiple_of3A_683] : memref<512xi32, #tpu.memory_space<vmem>> -> memref<8xi32, #tpu.memory_space<vmem>>
      %dma_start3A_685 = arith.constant 0 : i32
      %dma_start3A_686 = arith.constant 0 : i32
      %dma_start3A_687 = tpu.memref_slice %arg3[%dma_start3A_685, %dma_start3A_686] : memref<32000x2048xf32, #tpu.memory_space<hbm>> -> memref<32000x2048xf32, #tpu.memory_space<hbm>>
      tpu.enqueue_indirect_dma source(%dma_start3A_687 : memref<32000x2048xf32, #tpu.memory_space<hbm>>) target(%arg9 : memref<8x2048xf32, #tpu.memory_space<vmem>>) offsets(%dma_start3A_684 : memref<8xi32, #tpu.memory_space<vmem>>) semaphore(%arg13 : memref<!tpu.dma_semaphore, #tpu.memory_space<semaphore_mem>>)
    }
    %scan3A_31 = arith.constant 15 : i32
    %multiple_of3A_32 = arith.constant 480 : i32
    %multiple_of3A_33 = tpu.assume_multiple %multiple_of3A_32, 8 : i32
    %dma_wait3A = tpu.memref_slice %arg5[%multiple_of3A_33] : memref<512xi32, #tpu.memory_space<vmem>> -> memref<8xi32, #tpu.memory_space<vmem>>
    %dma_wait3A_34 = arith.constant 0 : i32
    %dma_wait3A_35 = arith.constant 0 : i32
    %dma_wait3A_36 = tpu.memref_slice %arg3[%dma_wait3A_34, %dma_wait3A_35] : memref<32000x2048xf32, #tpu.memory_space<hbm>> -> memref<32000x2048xf32, #tpu.memory_space<hbm>>
    tpu.wait_indirect_dma semaphore(%arg10 : memref<!tpu.dma_semaphore, #tpu.memory_space<semaphore_mem>>) src(%dma_wait3A_36 : memref<32000x2048xf32, #tpu.memory_space<hbm>>) dst(%arg6 : memref<8x2048xf32, #tpu.memory_space<vmem>>)
    %add3A_37 = arith.constant 120 : i32
    %add3A_38 = arith.addi %mul3A_4, %add3A_37 : i32
    %add3A_39 = arith.constant 0 : i32
    %add3A_40 = arith.addi %add3A_38, %add3A_39 : i32
    %add3A_41 = arith.constant 1 : i32
    %add3A_42 = arith.addi %add3A_38, %add3A_41 : i32
    %dma_start3A_43 = arith.constant 0 : i32
    %dma_start3A_44 = arith.constant 0 : i32
    %dma_start3A_45 = tpu.memref_slice %arg6[%dma_start3A_43, %dma_start3A_44] : memref<8x2048xf32, #tpu.memory_space<vmem>> -> memref<4x2048xf32, #tpu.memory_space<vmem>>
    %dma_start3A_46 = arith.constant 0 : i32
    %dma_start3A_47 = arith.constant 0 : i32
    %dma_start3A_48 = tpu.memref_slice %arg4[%add3A_40, %dma_start3A_46, %dma_start3A_47] : memref<4096x4x2048xf32, #tpu.memory_space<hbm>> -> memref<1x4x2048xf32, #tpu.memory_space<hbm>>
    %dma_start3A_49 = tpu.memref_squeeze %dma_start3A_48 : memref<1x4x2048xf32, #tpu.memory_space<hbm>> -> memref<4x2048xf32, #tpu.memory_space<hbm>>
    %dma_start3A_50 = arith.constant 0 : i32
    %dma_start3A_51 = arith.constant 0 : i32
    %dma_start3A_52 = tpu.memref_slice %arg4[%add3A_40, %dma_start3A_50, %dma_start3A_51] : memref<4096x4x2048xf32, #tpu.memory_space<hbm>> -> memref<1x4x2048xf32, #tpu.memory_space<hbm>>
    %dma_start3A_53 = tpu.memref_squeeze %dma_start3A_52 : memref<1x4x2048xf32, #tpu.memory_space<hbm>> -> memref<4x2048xf32, #tpu.memory_space<hbm>>
    %dma_start3A_54 = arith.constant 0 : i32
    %dma_start3A_55 = arith.constant 0 : i32
    %dma_start3A_56 = tpu.memref_slice %arg6[%dma_start3A_54, %dma_start3A_55] : memref<8x2048xf32, #tpu.memory_space<vmem>> -> memref<4x2048xf32, #tpu.memory_space<vmem>>
    tpu.enqueue_dma source(%dma_start3A_56 : memref<4x2048xf32, #tpu.memory_space<vmem>>) target(%dma_start3A_53 : memref<4x2048xf32, #tpu.memory_space<hbm>>) target_semaphore(%arg14 : memref<!tpu.dma_semaphore, #tpu.memory_space<semaphore_mem>>)
    %dma_start3A_57 = arith.constant 4 : i32
    %dma_start3A_58 = arith.constant 0 : i32
    %dma_start3A_59 = tpu.memref_slice %arg6[%dma_start3A_57, %dma_start3A_58] : memref<8x2048xf32, #tpu.memory_space<vmem>> -> memref<4x2048xf32, #tpu.memory_space<vmem>>
    %dma_start3A_60 = arith.constant 0 : i32
    %dma_start3A_61 = arith.constant 0 : i32
    %dma_start3A_62 = tpu.memref_slice %arg4[%add3A_42, %dma_start3A_60, %dma_start3A_61] : memref<4096x4x2048xf32, #tpu.memory_space<hbm>> -> memref<1x4x2048xf32, #tpu.memory_space<hbm>>
    %dma_start3A_63 = tpu.memref_squeeze %dma_start3A_62 : memref<1x4x2048xf32, #tpu.memory_space<hbm>> -> memref<4x2048xf32, #tpu.memory_space<hbm>>
    %dma_start3A_64 = arith.constant 0 : i32
    %dma_start3A_65 = arith.constant 0 : i32
    %dma_start3A_66 = tpu.memref_slice %arg4[%add3A_42, %dma_start3A_64, %dma_start3A_65] : memref<4096x4x2048xf32, #tpu.memory_space<hbm>> -> memref<1x4x2048xf32, #tpu.memory_space<hbm>>
    %dma_start3A_67 = tpu.memref_squeeze %dma_start3A_66 : memref<1x4x2048xf32, #tpu.memory_space<hbm>> -> memref<4x2048xf32, #tpu.memory_space<hbm>>
    %dma_start3A_68 = arith.constant 4 : i32
    %dma_start3A_69 = arith.constant 0 : i32
    %dma_start3A_70 = tpu.memref_slice %arg6[%dma_start3A_68, %dma_start3A_69] : memref<8x2048xf32, #tpu.memory_space<vmem>> -> memref<4x2048xf32, #tpu.memory_space<vmem>>
    tpu.enqueue_dma source(%dma_start3A_70 : memref<4x2048xf32, #tpu.memory_space<vmem>>) target(%dma_start3A_67 : memref<4x2048xf32, #tpu.memory_space<hbm>>) target_semaphore(%arg14 : memref<!tpu.dma_semaphore, #tpu.memory_space<semaphore_mem>>)
    %multiple_of3A_71 = arith.constant 488 : i32
    %multiple_of3A_72 = tpu.assume_multiple %multiple_of3A_71, 8 : i32
    %dma_wait3A_73 = tpu.memref_slice %arg5[%multiple_of3A_72] : memref<512xi32, #tpu.memory_space<vmem>> -> memref<8xi32, #tpu.memory_space<vmem>>
    %dma_wait3A_74 = arith.constant 0 : i32
    %dma_wait3A_75 = arith.constant 0 : i32
    %dma_wait3A_76 = tpu.memref_slice %arg3[%dma_wait3A_74, %dma_wait3A_75] : memref<32000x2048xf32, #tpu.memory_space<hbm>> -> memref<32000x2048xf32, #tpu.memory_space<hbm>>
    tpu.wait_indirect_dma semaphore(%arg11 : memref<!tpu.dma_semaphore, #tpu.memory_space<semaphore_mem>>) src(%dma_wait3A_76 : memref<32000x2048xf32, #tpu.memory_space<hbm>>) dst(%arg7 : memref<8x2048xf32, #tpu.memory_space<vmem>>)
    %add3A_77 = arith.constant 122 : i32
    %add3A_78 = arith.addi %mul3A_4, %add3A_77 : i32
    %add3A_79 = arith.constant 0 : i32
    %add3A_80 = arith.addi %add3A_78, %add3A_79 : i32
    %add3A_81 = arith.constant 1 : i32
    %add3A_82 = arith.addi %add3A_78, %add3A_81 : i32
    %dma_start3A_83 = arith.constant 0 : i32
    %dma_start3A_84 = arith.constant 0 : i32
    %dma_start3A_85 = tpu.memref_slice %arg7[%dma_start3A_83, %dma_start3A_84] : memref<8x2048xf32, #tpu.memory_space<vmem>> -> memref<4x2048xf32, #tpu.memory_space<vmem>>
    %dma_start3A_86 = arith.constant 0 : i32
    %dma_start3A_87 = arith.constant 0 : i32
    %dma_start3A_88 = tpu.memref_slice %arg4[%add3A_80, %dma_start3A_86, %dma_start3A_87] : memref<4096x4x2048xf32, #tpu.memory_space<hbm>> -> memref<1x4x2048xf32, #tpu.memory_space<hbm>>
    %dma_start3A_89 = tpu.memref_squeeze %dma_start3A_88 : memref<1x4x2048xf32, #tpu.memory_space<hbm>> -> memref<4x2048xf32, #tpu.memory_space<hbm>>
    %dma_start3A_90 = arith.constant 0 : i32
    %dma_start3A_91 = arith.constant 0 : i32
    %dma_start3A_92 = tpu.memref_slice %arg4[%add3A_80, %dma_start3A_90, %dma_start3A_91] : memref<4096x4x2048xf32, #tpu.memory_space<hbm>> -> memref<1x4x2048xf32, #tpu.memory_space<hbm>>
    %dma_start3A_93 = tpu.memref_squeeze %dma_start3A_92 : memref<1x4x2048xf32, #tpu.memory_space<hbm>> -> memref<4x2048xf32, #tpu.memory_space<hbm>>
    %dma_start3A_94 = arith.constant 0 : i32
    %dma_start3A_95 = arith.constant 0 : i32
    %dma_start3A_96 = tpu.memref_slice %arg7[%dma_start3A_94, %dma_start3A_95] : memref<8x2048xf32, #tpu.memory_space<vmem>> -> memref<4x2048xf32, #tpu.memory_space<vmem>>
    tpu.enqueue_dma source(%dma_start3A_96 : memref<4x2048xf32, #tpu.memory_space<vmem>>) target(%dma_start3A_93 : memref<4x2048xf32, #tpu.memory_space<hbm>>) target_semaphore(%arg15 : memref<!tpu.dma_semaphore, #tpu.memory_space<semaphore_mem>>)
    %dma_start3A_97 = arith.constant 4 : i32
    %dma_start3A_98 = arith.constant 0 : i32
    %dma_start3A_99 = tpu.memref_slice %arg7[%dma_start3A_97, %dma_start3A_98] : memref<8x2048xf32, #tpu.memory_space<vmem>> -> memref<4x2048xf32, #tpu.memory_space<vmem>>
    %dma_start3A_100 = arith.constant 0 : i32
    %dma_start3A_101 = arith.constant 0 : i32
    %dma_start3A_102 = tpu.memref_slice %arg4[%add3A_82, %dma_start3A_100, %dma_start3A_101] : memref<4096x4x2048xf32, #tpu.memory_space<hbm>> -> memref<1x4x2048xf32, #tpu.memory_space<hbm>>
    %dma_start3A_103 = tpu.memref_squeeze %dma_start3A_102 : memref<1x4x2048xf32, #tpu.memory_space<hbm>> -> memref<4x2048xf32, #tpu.memory_space<hbm>>
    %dma_start3A_104 = arith.constant 0 : i32
    %dma_start3A_105 = arith.constant 0 : i32
    %dma_start3A_106 = tpu.memref_slice %arg4[%add3A_82, %dma_start3A_104, %dma_start3A_105] : memref<4096x4x2048xf32, #tpu.memory_space<hbm>> -> memref<1x4x2048xf32, #tpu.memory_space<hbm>>
    %dma_start3A_107 = tpu.memref_squeeze %dma_start3A_106 : memref<1x4x2048xf32, #tpu.memory_space<hbm>> -> memref<4x2048xf32, #tpu.memory_space<hbm>>
    %dma_start3A_108 = arith.constant 4 : i32
    %dma_start3A_109 = arith.constant 0 : i32
    %dma_start3A_110 = tpu.memref_slice %arg7[%dma_start3A_108, %dma_start3A_109] : memref<8x2048xf32, #tpu.memory_space<vmem>> -> memref<4x2048xf32, #tpu.memory_space<vmem>>
    tpu.enqueue_dma source(%dma_start3A_110 : memref<4x2048xf32, #tpu.memory_space<vmem>>) target(%dma_start3A_107 : memref<4x2048xf32, #tpu.memory_space<hbm>>) target_semaphore(%arg15 : memref<!tpu.dma_semaphore, #tpu.memory_space<semaphore_mem>>)
    %multiple_of3A_111 = arith.constant 496 : i32
    %multiple_of3A_112 = tpu.assume_multiple %multiple_of3A_111, 8 : i32
    %dma_wait3A_113 = tpu.memref_slice %arg5[%multiple_of3A_112] : memref<512xi32, #tpu.memory_space<vmem>> -> memref<8xi32, #tpu.memory_space<vmem>>
    %dma_wait3A_114 = arith.constant 0 : i32
    %dma_wait3A_115 = arith.constant 0 : i32
    %dma_wait3A_116 = tpu.memref_slice %arg3[%dma_wait3A_114, %dma_wait3A_115] : memref<32000x2048xf32, #tpu.memory_space<hbm>> -> memref<32000x2048xf32, #tpu.memory_space<hbm>>
    tpu.wait_indirect_dma semaphore(%arg12 : memref<!tpu.dma_semaphore, #tpu.memory_space<semaphore_mem>>) src(%dma_wait3A_116 : memref<32000x2048xf32, #tpu.memory_space<hbm>>) dst(%arg8 : memref<8x2048xf32, #tpu.memory_space<vmem>>)
    %add3A_117 = arith.constant 124 : i32
    %add3A_118 = arith.addi %mul3A_4, %add3A_117 : i32
    %add3A_119 = arith.constant 0 : i32
    %add3A_120 = arith.addi %add3A_118, %add3A_119 : i32
    %add3A_121 = arith.constant 1 : i32
    %add3A_122 = arith.addi %add3A_118, %add3A_121 : i32
    %dma_start3A_123 = arith.constant 0 : i32
    %dma_start3A_124 = arith.constant 0 : i32
    %dma_start3A_125 = tpu.memref_slice %arg8[%dma_start3A_123, %dma_start3A_124] : memref<8x2048xf32, #tpu.memory_space<vmem>> -> memref<4x2048xf32, #tpu.memory_space<vmem>>
    %dma_start3A_126 = arith.constant 0 : i32
    %dma_start3A_127 = arith.constant 0 : i32
    %dma_start3A_128 = tpu.memref_slice %arg4[%add3A_120, %dma_start3A_126, %dma_start3A_127] : memref<4096x4x2048xf32, #tpu.memory_space<hbm>> -> memref<1x4x2048xf32, #tpu.memory_space<hbm>>
    %dma_start3A_129 = tpu.memref_squeeze %dma_start3A_128 : memref<1x4x2048xf32, #tpu.memory_space<hbm>> -> memref<4x2048xf32, #tpu.memory_space<hbm>>
    %dma_start3A_130 = arith.constant 0 : i32
    %dma_start3A_131 = arith.constant 0 : i32
    %dma_start3A_132 = tpu.memref_slice %arg4[%add3A_120, %dma_start3A_130, %dma_start3A_131] : memref<4096x4x2048xf32, #tpu.memory_space<hbm>> -> memref<1x4x2048xf32, #tpu.memory_space<hbm>>
    %dma_start3A_133 = tpu.memref_squeeze %dma_start3A_132 : memref<1x4x2048xf32, #tpu.memory_space<hbm>> -> memref<4x2048xf32, #tpu.memory_space<hbm>>
    %dma_start3A_134 = arith.constant 0 : i32
    %dma_start3A_135 = arith.constant 0 : i32
    %dma_start3A_136 = tpu.memref_slice %arg8[%dma_start3A_134, %dma_start3A_135] : memref<8x2048xf32, #tpu.memory_space<vmem>> -> memref<4x2048xf32, #tpu.memory_space<vmem>>
    tpu.enqueue_dma source(%dma_start3A_136 : memref<4x2048xf32, #tpu.memory_space<vmem>>) target(%dma_start3A_133 : memref<4x2048xf32, #tpu.memory_space<hbm>>) target_semaphore(%arg16 : memref<!tpu.dma_semaphore, #tpu.memory_space<semaphore_mem>>)
    %dma_start3A_137 = arith.constant 4 : i32
    %dma_start3A_138 = arith.constant 0 : i32
    %dma_start3A_139 = tpu.memref_slice %arg8[%dma_start3A_137, %dma_start3A_138] : memref<8x2048xf32, #tpu.memory_space<vmem>> -> memref<4x2048xf32, #tpu.memory_space<vmem>>
    %dma_start3A_140 = arith.constant 0 : i32
    %dma_start3A_141 = arith.constant 0 : i32
    %dma_start3A_142 = tpu.memref_slice %arg4[%add3A_122, %dma_start3A_140, %dma_start3A_141] : memref<4096x4x2048xf32, #tpu.memory_space<hbm>> -> memref<1x4x2048xf32, #tpu.memory_space<hbm>>
    %dma_start3A_143 = tpu.memref_squeeze %dma_start3A_142 : memref<1x4x2048xf32, #tpu.memory_space<hbm>> -> memref<4x2048xf32, #tpu.memory_space<hbm>>
    %dma_start3A_144 = arith.constant 0 : i32
    %dma_start3A_145 = arith.constant 0 : i32
    %dma_start3A_146 = tpu.memref_slice %arg4[%add3A_122, %dma_start3A_144, %dma_start3A_145] : memref<4096x4x2048xf32, #tpu.memory_space<hbm>> -> memref<1x4x2048xf32, #tpu.memory_space<hbm>>
    %dma_start3A_147 = tpu.memref_squeeze %dma_start3A_146 : memref<1x4x2048xf32, #tpu.memory_space<hbm>> -> memref<4x2048xf32, #tpu.memory_space<hbm>>
    %dma_start3A_148 = arith.constant 4 : i32
    %dma_start3A_149 = arith.constant 0 : i32
    %dma_start3A_150 = tpu.memref_slice %arg8[%dma_start3A_148, %dma_start3A_149] : memref<8x2048xf32, #tpu.memory_space<vmem>> -> memref<4x2048xf32, #tpu.memory_space<vmem>>
    tpu.enqueue_dma source(%dma_start3A_150 : memref<4x2048xf32, #tpu.memory_space<vmem>>) target(%dma_start3A_147 : memref<4x2048xf32, #tpu.memory_space<hbm>>) target_semaphore(%arg16 : memref<!tpu.dma_semaphore, #tpu.memory_space<semaphore_mem>>)
    %multiple_of3A_151 = arith.constant 504 : i32
    %multiple_of3A_152 = tpu.assume_multiple %multiple_of3A_151, 8 : i32
    %dma_wait3A_153 = tpu.memref_slice %arg5[%multiple_of3A_152] : memref<512xi32, #tpu.memory_space<vmem>> -> memref<8xi32, #tpu.memory_space<vmem>>
    %dma_wait3A_154 = arith.constant 0 : i32
    %dma_wait3A_155 = arith.constant 0 : i32
    %dma_wait3A_156 = tpu.memref_slice %arg3[%dma_wait3A_154, %dma_wait3A_155] : memref<32000x2048xf32, #tpu.memory_space<hbm>> -> memref<32000x2048xf32, #tpu.memory_space<hbm>>
    tpu.wait_indirect_dma semaphore(%arg13 : memref<!tpu.dma_semaphore, #tpu.memory_space<semaphore_mem>>) src(%dma_wait3A_156 : memref<32000x2048xf32, #tpu.memory_space<hbm>>) dst(%arg9 : memref<8x2048xf32, #tpu.memory_space<vmem>>)
    %add3A_157 = arith.constant 126 : i32
    %add3A_158 = arith.addi %mul3A_4, %add3A_157 : i32
    %add3A_159 = arith.constant 0 : i32
    %add3A_160 = arith.addi %add3A_158, %add3A_159 : i32
    %add3A_161 = arith.constant 1 : i32
    %add3A_162 = arith.addi %add3A_158, %add3A_161 : i32
    %dma_start3A_163 = arith.constant 0 : i32
    %dma_start3A_164 = arith.constant 0 : i32
    %dma_start3A_165 = tpu.memref_slice %arg9[%dma_start3A_163, %dma_start3A_164] : memref<8x2048xf32, #tpu.memory_space<vmem>> -> memref<4x2048xf32, #tpu.memory_space<vmem>>
    %dma_start3A_166 = arith.constant 0 : i32
    %dma_start3A_167 = arith.constant 0 : i32
    %dma_start3A_168 = tpu.memref_slice %arg4[%add3A_160, %dma_start3A_166, %dma_start3A_167] : memref<4096x4x2048xf32, #tpu.memory_space<hbm>> -> memref<1x4x2048xf32, #tpu.memory_space<hbm>>
    %dma_start3A_169 = tpu.memref_squeeze %dma_start3A_168 : memref<1x4x2048xf32, #tpu.memory_space<hbm>> -> memref<4x2048xf32, #tpu.memory_space<hbm>>
    %dma_start3A_170 = arith.constant 0 : i32
    %dma_start3A_171 = arith.constant 0 : i32
    %dma_start3A_172 = tpu.memref_slice %arg4[%add3A_160, %dma_start3A_170, %dma_start3A_171] : memref<4096x4x2048xf32, #tpu.memory_space<hbm>> -> memref<1x4x2048xf32, #tpu.memory_space<hbm>>
    %dma_start3A_173 = tpu.memref_squeeze %dma_start3A_172 : memref<1x4x2048xf32, #tpu.memory_space<hbm>> -> memref<4x2048xf32, #tpu.memory_space<hbm>>
    %dma_start3A_174 = arith.constant 0 : i32
    %dma_start3A_175 = arith.constant 0 : i32
    %dma_start3A_176 = tpu.memref_slice %arg9[%dma_start3A_174, %dma_start3A_175] : memref<8x2048xf32, #tpu.memory_space<vmem>> -> memref<4x2048xf32, #tpu.memory_space<vmem>>
    tpu.enqueue_dma source(%dma_start3A_176 : memref<4x2048xf32, #tpu.memory_space<vmem>>) target(%dma_start3A_173 : memref<4x2048xf32, #tpu.memory_space<hbm>>) target_semaphore(%arg17 : memref<!tpu.dma_semaphore, #tpu.memory_space<semaphore_mem>>)
    %dma_start3A_177 = arith.constant 4 : i32
    %dma_start3A_178 = arith.constant 0 : i32
    %dma_start3A_179 = tpu.memref_slice %arg9[%dma_start3A_177, %dma_start3A_178] : memref<8x2048xf32, #tpu.memory_space<vmem>> -> memref<4x2048xf32, #tpu.memory_space<vmem>>
    %dma_start3A_180 = arith.constant 0 : i32
    %dma_start3A_181 = arith.constant 0 : i32
    %dma_start3A_182 = tpu.memref_slice %arg4[%add3A_162, %dma_start3A_180, %dma_start3A_181] : memref<4096x4x2048xf32, #tpu.memory_space<hbm>> -> memref<1x4x2048xf32, #tpu.memory_space<hbm>>
    %dma_start3A_183 = tpu.memref_squeeze %dma_start3A_182 : memref<1x4x2048xf32, #tpu.memory_space<hbm>> -> memref<4x2048xf32, #tpu.memory_space<hbm>>
    %dma_start3A_184 = arith.constant 0 : i32
    %dma_start3A_185 = arith.constant 0 : i32
    %dma_start3A_186 = tpu.memref_slice %arg4[%add3A_162, %dma_start3A_184, %dma_start3A_185] : memref<4096x4x2048xf32, #tpu.memory_space<hbm>> -> memref<1x4x2048xf32, #tpu.memory_space<hbm>>
    %dma_start3A_187 = tpu.memref_squeeze %dma_start3A_186 : memref<1x4x2048xf32, #tpu.memory_space<hbm>> -> memref<4x2048xf32, #tpu.memory_space<hbm>>
    %dma_start3A_188 = arith.constant 4 : i32
    %dma_start3A_189 = arith.constant 0 : i32
    %dma_start3A_190 = tpu.memref_slice %arg9[%dma_start3A_188, %dma_start3A_189] : memref<8x2048xf32, #tpu.memory_space<vmem>> -> memref<4x2048xf32, #tpu.memory_space<vmem>>
    tpu.enqueue_dma source(%dma_start3A_190 : memref<4x2048xf32, #tpu.memory_space<vmem>>) target(%dma_start3A_187 : memref<4x2048xf32, #tpu.memory_space<hbm>>) target_semaphore(%arg17 : memref<!tpu.dma_semaphore, #tpu.memory_space<semaphore_mem>>)
    %add3A_191 = arith.constant 120 : i32
    %add3A_192 = arith.addi %mul3A_4, %add3A_191 : i32
    %add3A_193 = arith.constant 0 : i32
    %add3A_194 = arith.addi %add3A_192, %add3A_193 : i32
    %add3A_195 = arith.constant 1 : i32
    %add3A_196 = arith.addi %add3A_192, %add3A_195 : i32
    %dma_wait3A_197 = arith.constant 0 : i32
    %dma_wait3A_198 = arith.constant 0 : i32
    %dma_wait3A_199 = tpu.memref_slice %arg6[%dma_wait3A_197, %dma_wait3A_198] : memref<8x2048xf32, #tpu.memory_space<vmem>> -> memref<4x2048xf32, #tpu.memory_space<vmem>>
    %dma_wait3A_200 = arith.constant 0 : i32
    %dma_wait3A_201 = arith.constant 0 : i32
    %dma_wait3A_202 = tpu.memref_slice %arg4[%add3A_194, %dma_wait3A_200, %dma_wait3A_201] : memref<4096x4x2048xf32, #tpu.memory_space<hbm>> -> memref<1x4x2048xf32, #tpu.memory_space<hbm>>
    %dma_wait3A_203 = tpu.memref_squeeze %dma_wait3A_202 : memref<1x4x2048xf32, #tpu.memory_space<hbm>> -> memref<4x2048xf32, #tpu.memory_space<hbm>>
    %dma_wait3A_204 = arith.constant 0 : i32
    %dma_wait3A_205 = arith.constant 0 : i32
    %dma_wait3A_206 = tpu.memref_slice %arg4[%add3A_194, %dma_wait3A_204, %dma_wait3A_205] : memref<4096x4x2048xf32, #tpu.memory_space<hbm>> -> memref<1x4x2048xf32, #tpu.memory_space<hbm>>
    %dma_wait3A_207 = tpu.memref_squeeze %dma_wait3A_206 : memref<1x4x2048xf32, #tpu.memory_space<hbm>> -> memref<4x2048xf32, #tpu.memory_space<hbm>>
    %dma_wait3A_208 = arith.constant 0 : i32
    %dma_wait3A_209 = arith.constant 0 : i32
    %dma_wait3A_210 = tpu.memref_slice %arg6[%dma_wait3A_208, %dma_wait3A_209] : memref<8x2048xf32, #tpu.memory_space<vmem>> -> memref<4x2048xf32, #tpu.memory_space<vmem>>
    tpu.wait_dma2 semaphore(%arg14 : memref<!tpu.dma_semaphore, #tpu.memory_space<semaphore_mem>>) src(%dma_wait3A_210 : memref<4x2048xf32, #tpu.memory_space<vmem>>) dst(%dma_wait3A_207 : memref<4x2048xf32, #tpu.memory_space<hbm>>)
    %dma_wait3A_211 = arith.constant 4 : i32
    %dma_wait3A_212 = arith.constant 0 : i32
    %dma_wait3A_213 = tpu.memref_slice %arg6[%dma_wait3A_211, %dma_wait3A_212] : memref<8x2048xf32, #tpu.memory_space<vmem>> -> memref<4x2048xf32, #tpu.memory_space<vmem>>
    %dma_wait3A_214 = arith.constant 0 : i32
    %dma_wait3A_215 = arith.constant 0 : i32
    %dma_wait3A_216 = tpu.memref_slice %arg4[%add3A_196, %dma_wait3A_214, %dma_wait3A_215] : memref<4096x4x2048xf32, #tpu.memory_space<hbm>> -> memref<1x4x2048xf32, #tpu.memory_space<hbm>>
    %dma_wait3A_217 = tpu.memref_squeeze %dma_wait3A_216 : memref<1x4x2048xf32, #tpu.memory_space<hbm>> -> memref<4x2048xf32, #tpu.memory_space<hbm>>
    %dma_wait3A_218 = arith.constant 0 : i32
    %dma_wait3A_219 = arith.constant 0 : i32
    %dma_wait3A_220 = tpu.memref_slice %arg4[%add3A_196, %dma_wait3A_218, %dma_wait3A_219] : memref<4096x4x2048xf32, #tpu.memory_space<hbm>> -> memref<1x4x2048xf32, #tpu.memory_space<hbm>>
    %dma_wait3A_221 = tpu.memref_squeeze %dma_wait3A_220 : memref<1x4x2048xf32, #tpu.memory_space<hbm>> -> memref<4x2048xf32, #tpu.memory_space<hbm>>
    %dma_wait3A_222 = arith.constant 4 : i32
    %dma_wait3A_223 = arith.constant 0 : i32
    %dma_wait3A_224 = tpu.memref_slice %arg6[%dma_wait3A_222, %dma_wait3A_223] : memref<8x2048xf32, #tpu.memory_space<vmem>> -> memref<4x2048xf32, #tpu.memory_space<vmem>>
    tpu.wait_dma2 semaphore(%arg14 : memref<!tpu.dma_semaphore, #tpu.memory_space<semaphore_mem>>) src(%dma_wait3A_224 : memref<4x2048xf32, #tpu.memory_space<vmem>>) dst(%dma_wait3A_221 : memref<4x2048xf32, #tpu.memory_space<hbm>>)
    %add3A_225 = arith.constant 122 : i32
    %add3A_226 = arith.addi %mul3A_4, %add3A_225 : i32
    %add3A_227 = arith.constant 0 : i32
    %add3A_228 = arith.addi %add3A_226, %add3A_227 : i32
    %add3A_229 = arith.constant 1 : i32
    %add3A_230 = arith.addi %add3A_226, %add3A_229 : i32
    %dma_wait3A_231 = arith.constant 0 : i32
    %dma_wait3A_232 = arith.constant 0 : i32
    %dma_wait3A_233 = tpu.memref_slice %arg7[%dma_wait3A_231, %dma_wait3A_232] : memref<8x2048xf32, #tpu.memory_space<vmem>> -> memref<4x2048xf32, #tpu.memory_space<vmem>>
    %dma_wait3A_234 = arith.constant 0 : i32
    %dma_wait3A_235 = arith.constant 0 : i32
    %dma_wait3A_236 = tpu.memref_slice %arg4[%add3A_228, %dma_wait3A_234, %dma_wait3A_235] : memref<4096x4x2048xf32, #tpu.memory_space<hbm>> -> memref<1x4x2048xf32, #tpu.memory_space<hbm>>
    %dma_wait3A_237 = tpu.memref_squeeze %dma_wait3A_236 : memref<1x4x2048xf32, #tpu.memory_space<hbm>> -> memref<4x2048xf32, #tpu.memory_space<hbm>>
    %dma_wait3A_238 = arith.constant 0 : i32
    %dma_wait3A_239 = arith.constant 0 : i32
    %dma_wait3A_240 = tpu.memref_slice %arg4[%add3A_228, %dma_wait3A_238, %dma_wait3A_239] : memref<4096x4x2048xf32, #tpu.memory_space<hbm>> -> memref<1x4x2048xf32, #tpu.memory_space<hbm>>
    %dma_wait3A_241 = tpu.memref_squeeze %dma_wait3A_240 : memref<1x4x2048xf32, #tpu.memory_space<hbm>> -> memref<4x2048xf32, #tpu.memory_space<hbm>>
    %dma_wait3A_242 = arith.constant 0 : i32
    %dma_wait3A_243 = arith.constant 0 : i32
    %dma_wait3A_244 = tpu.memref_slice %arg7[%dma_wait3A_242, %dma_wait3A_243] : memref<8x2048xf32, #tpu.memory_space<vmem>> -> memref<4x2048xf32, #tpu.memory_space<vmem>>
    tpu.wait_dma2 semaphore(%arg15 : memref<!tpu.dma_semaphore, #tpu.memory_space<semaphore_mem>>) src(%dma_wait3A_244 : memref<4x2048xf32, #tpu.memory_space<vmem>>) dst(%dma_wait3A_241 : memref<4x2048xf32, #tpu.memory_space<hbm>>)
    %dma_wait3A_245 = arith.constant 4 : i32
    %dma_wait3A_246 = arith.constant 0 : i32
    %dma_wait3A_247 = tpu.memref_slice %arg7[%dma_wait3A_245, %dma_wait3A_246] : memref<8x2048xf32, #tpu.memory_space<vmem>> -> memref<4x2048xf32, #tpu.memory_space<vmem>>
    %dma_wait3A_248 = arith.constant 0 : i32
    %dma_wait3A_249 = arith.constant 0 : i32
    %dma_wait3A_250 = tpu.memref_slice %arg4[%add3A_230, %dma_wait3A_248, %dma_wait3A_249] : memref<4096x4x2048xf32, #tpu.memory_space<hbm>> -> memref<1x4x2048xf32, #tpu.memory_space<hbm>>
    %dma_wait3A_251 = tpu.memref_squeeze %dma_wait3A_250 : memref<1x4x2048xf32, #tpu.memory_space<hbm>> -> memref<4x2048xf32, #tpu.memory_space<hbm>>
    %dma_wait3A_252 = arith.constant 0 : i32
    %dma_wait3A_253 = arith.constant 0 : i32
    %dma_wait3A_254 = tpu.memref_slice %arg4[%add3A_230, %dma_wait3A_252, %dma_wait3A_253] : memref<4096x4x2048xf32, #tpu.memory_space<hbm>> -> memref<1x4x2048xf32, #tpu.memory_space<hbm>>
    %dma_wait3A_255 = tpu.memref_squeeze %dma_wait3A_254 : memref<1x4x2048xf32, #tpu.memory_space<hbm>> -> memref<4x2048xf32, #tpu.memory_space<hbm>>
    %dma_wait3A_256 = arith.constant 4 : i32
    %dma_wait3A_257 = arith.constant 0 : i32
    %dma_wait3A_258 = tpu.memref_slice %arg7[%dma_wait3A_256, %dma_wait3A_257] : memref<8x2048xf32, #tpu.memory_space<vmem>> -> memref<4x2048xf32, #tpu.memory_space<vmem>>
    tpu.wait_dma2 semaphore(%arg15 : memref<!tpu.dma_semaphore, #tpu.memory_space<semaphore_mem>>) src(%dma_wait3A_258 : memref<4x2048xf32, #tpu.memory_space<vmem>>) dst(%dma_wait3A_255 : memref<4x2048xf32, #tpu.memory_space<hbm>>)
    %add3A_259 = arith.constant 124 : i32
    %add3A_260 = arith.addi %mul3A_4, %add3A_259 : i32
    %add3A_261 = arith.constant 0 : i32
    %add3A_262 = arith.addi %add3A_260, %add3A_261 : i32
    %add3A_263 = arith.constant 1 : i32
    %add3A_264 = arith.addi %add3A_260, %add3A_263 : i32
    %dma_wait3A_265 = arith.constant 0 : i32
    %dma_wait3A_266 = arith.constant 0 : i32
    %dma_wait3A_267 = tpu.memref_slice %arg8[%dma_wait3A_265, %dma_wait3A_266] : memref<8x2048xf32, #tpu.memory_space<vmem>> -> memref<4x2048xf32, #tpu.memory_space<vmem>>
    %dma_wait3A_268 = arith.constant 0 : i32
    %dma_wait3A_269 = arith.constant 0 : i32
    %dma_wait3A_270 = tpu.memref_slice %arg4[%add3A_262, %dma_wait3A_268, %dma_wait3A_269] : memref<4096x4x2048xf32, #tpu.memory_space<hbm>> -> memref<1x4x2048xf32, #tpu.memory_space<hbm>>
    %dma_wait3A_271 = tpu.memref_squeeze %dma_wait3A_270 : memref<1x4x2048xf32, #tpu.memory_space<hbm>> -> memref<4x2048xf32, #tpu.memory_space<hbm>>
    %dma_wait3A_272 = arith.constant 0 : i32
    %dma_wait3A_273 = arith.constant 0 : i32
    %dma_wait3A_274 = tpu.memref_slice %arg4[%add3A_262, %dma_wait3A_272, %dma_wait3A_273] : memref<4096x4x2048xf32, #tpu.memory_space<hbm>> -> memref<1x4x2048xf32, #tpu.memory_space<hbm>>
    %dma_wait3A_275 = tpu.memref_squeeze %dma_wait3A_274 : memref<1x4x2048xf32, #tpu.memory_space<hbm>> -> memref<4x2048xf32, #tpu.memory_space<hbm>>
    %dma_wait3A_276 = arith.constant 0 : i32
    %dma_wait3A_277 = arith.constant 0 : i32
    %dma_wait3A_278 = tpu.memref_slice %arg8[%dma_wait3A_276, %dma_wait3A_277] : memref<8x2048xf32, #tpu.memory_space<vmem>> -> memref<4x2048xf32, #tpu.memory_space<vmem>>
    tpu.wait_dma2 semaphore(%arg16 : memref<!tpu.dma_semaphore, #tpu.memory_space<semaphore_mem>>) src(%dma_wait3A_278 : memref<4x2048xf32, #tpu.memory_space<vmem>>) dst(%dma_wait3A_275 : memref<4x2048xf32, #tpu.memory_space<hbm>>)
    %dma_wait3A_279 = arith.constant 4 : i32
    %dma_wait3A_280 = arith.constant 0 : i32
    %dma_wait3A_281 = tpu.memref_slice %arg8[%dma_wait3A_279, %dma_wait3A_280] : memref<8x2048xf32, #tpu.memory_space<vmem>> -> memref<4x2048xf32, #tpu.memory_space<vmem>>
    %dma_wait3A_282 = arith.constant 0 : i32
    %dma_wait3A_283 = arith.constant 0 : i32
    %dma_wait3A_284 = tpu.memref_slice %arg4[%add3A_264, %dma_wait3A_282, %dma_wait3A_283] : memref<4096x4x2048xf32, #tpu.memory_space<hbm>> -> memref<1x4x2048xf32, #tpu.memory_space<hbm>>
    %dma_wait3A_285 = tpu.memref_squeeze %dma_wait3A_284 : memref<1x4x2048xf32, #tpu.memory_space<hbm>> -> memref<4x2048xf32, #tpu.memory_space<hbm>>
    %dma_wait3A_286 = arith.constant 0 : i32
    %dma_wait3A_287 = arith.constant 0 : i32
    %dma_wait3A_288 = tpu.memref_slice %arg4[%add3A_264, %dma_wait3A_286, %dma_wait3A_287] : memref<4096x4x2048xf32, #tpu.memory_space<hbm>> -> memref<1x4x2048xf32, #tpu.memory_space<hbm>>
    %dma_wait3A_289 = tpu.memref_squeeze %dma_wait3A_288 : memref<1x4x2048xf32, #tpu.memory_space<hbm>> -> memref<4x2048xf32, #tpu.memory_space<hbm>>
    %dma_wait3A_290 = arith.constant 4 : i32
    %dma_wait3A_291 = arith.constant 0 : i32
    %dma_wait3A_292 = tpu.memref_slice %arg8[%dma_wait3A_290, %dma_wait3A_291] : memref<8x2048xf32, #tpu.memory_space<vmem>> -> memref<4x2048xf32, #tpu.memory_space<vmem>>
    tpu.wait_dma2 semaphore(%arg16 : memref<!tpu.dma_semaphore, #tpu.memory_space<semaphore_mem>>) src(%dma_wait3A_292 : memref<4x2048xf32, #tpu.memory_space<vmem>>) dst(%dma_wait3A_289 : memref<4x2048xf32, #tpu.memory_space<hbm>>)
    %add3A_293 = arith.constant 126 : i32
    %add3A_294 = arith.addi %mul3A_4, %add3A_293 : i32
    %add3A_295 = arith.constant 0 : i32
    %add3A_296 = arith.addi %add3A_294, %add3A_295 : i32
    %add3A_297 = arith.constant 1 : i32
    %add3A_298 = arith.addi %add3A_294, %add3A_297 : i32
    %dma_wait3A_299 = arith.constant 0 : i32
    %dma_wait3A_300 = arith.constant 0 : i32
    %dma_wait3A_301 = tpu.memref_slice %arg9[%dma_wait3A_299, %dma_wait3A_300] : memref<8x2048xf32, #tpu.memory_space<vmem>> -> memref<4x2048xf32, #tpu.memory_space<vmem>>
    %dma_wait3A_302 = arith.constant 0 : i32
    %dma_wait3A_303 = arith.constant 0 : i32
    %dma_wait3A_304 = tpu.memref_slice %arg4[%add3A_296, %dma_wait3A_302, %dma_wait3A_303] : memref<4096x4x2048xf32, #tpu.memory_space<hbm>> -> memref<1x4x2048xf32, #tpu.memory_space<hbm>>
    %dma_wait3A_305 = tpu.memref_squeeze %dma_wait3A_304 : memref<1x4x2048xf32, #tpu.memory_space<hbm>> -> memref<4x2048xf32, #tpu.memory_space<hbm>>
    %dma_wait3A_306 = arith.constant 0 : i32
    %dma_wait3A_307 = arith.constant 0 : i32
    %dma_wait3A_308 = tpu.memref_slice %arg4[%add3A_296, %dma_wait3A_306, %dma_wait3A_307] : memref<4096x4x2048xf32, #tpu.memory_space<hbm>> -> memref<1x4x2048xf32, #tpu.memory_space<hbm>>
    %dma_wait3A_309 = tpu.memref_squeeze %dma_wait3A_308 : memref<1x4x2048xf32, #tpu.memory_space<hbm>> -> memref<4x2048xf32, #tpu.memory_space<hbm>>
    %dma_wait3A_310 = arith.constant 0 : i32
    %dma_wait3A_311 = arith.constant 0 : i32
    %dma_wait3A_312 = tpu.memref_slice %arg9[%dma_wait3A_310, %dma_wait3A_311] : memref<8x2048xf32, #tpu.memory_space<vmem>> -> memref<4x2048xf32, #tpu.memory_space<vmem>>
    tpu.wait_dma2 semaphore(%arg17 : memref<!tpu.dma_semaphore, #tpu.memory_space<semaphore_mem>>) src(%dma_wait3A_312 : memref<4x2048xf32, #tpu.memory_space<vmem>>) dst(%dma_wait3A_309 : memref<4x2048xf32, #tpu.memory_space<hbm>>)
    %dma_wait3A_313 = arith.constant 4 : i32
    %dma_wait3A_314 = arith.constant 0 : i32
    %dma_wait3A_315 = tpu.memref_slice %arg9[%dma_wait3A_313, %dma_wait3A_314] : memref<8x2048xf32, #tpu.memory_space<vmem>> -> memref<4x2048xf32, #tpu.memory_space<vmem>>
    %dma_wait3A_316 = arith.constant 0 : i32
    %dma_wait3A_317 = arith.constant 0 : i32
    %dma_wait3A_318 = tpu.memref_slice %arg4[%add3A_298, %dma_wait3A_316, %dma_wait3A_317] : memref<4096x4x2048xf32, #tpu.memory_space<hbm>> -> memref<1x4x2048xf32, #tpu.memory_space<hbm>>
    %dma_wait3A_319 = tpu.memref_squeeze %dma_wait3A_318 : memref<1x4x2048xf32, #tpu.memory_space<hbm>> -> memref<4x2048xf32, #tpu.memory_space<hbm>>
    %dma_wait3A_320 = arith.constant 0 : i32
    %dma_wait3A_321 = arith.constant 0 : i32
    %dma_wait3A_322 = tpu.memref_slice %arg4[%add3A_298, %dma_wait3A_320, %dma_wait3A_321] : memref<4096x4x2048xf32, #tpu.memory_space<hbm>> -> memref<1x4x2048xf32, #tpu.memory_space<hbm>>
    %dma_wait3A_323 = tpu.memref_squeeze %dma_wait3A_322 : memref<1x4x2048xf32, #tpu.memory_space<hbm>> -> memref<4x2048xf32, #tpu.memory_space<hbm>>
    %dma_wait3A_324 = arith.constant 4 : i32
    %dma_wait3A_325 = arith.constant 0 : i32
    %dma_wait3A_326 = tpu.memref_slice %arg9[%dma_wait3A_324, %dma_wait3A_325] : memref<8x2048xf32, #tpu.memory_space<vmem>> -> memref<4x2048xf32, #tpu.memory_space<vmem>>
    tpu.wait_dma2 semaphore(%arg17 : memref<!tpu.dma_semaphore, #tpu.memory_space<semaphore_mem>>) src(%dma_wait3A_326 : memref<4x2048xf32, #tpu.memory_space<vmem>>) dst(%dma_wait3A_323 : memref<4x2048xf32, #tpu.memory_space<hbm>>)
    return
  }
}

</mosaic_0001>

<sc_bundles>
// kernel: kernel.3.cloned.1.call-start
scs
__scs_entry_jumppad:
0x0: {  	(pc) =	sbr.rel $0x88, $3  }
0x1: {  	(tag) =	ssettag $0x0;
	lr =	simm.s32 $0x1  }
0x2: {  	[smem:$0x3F9F] =	sst lr;
	_ =	strace $0xD0000000  }
0x3: {  	_ = 	snop  }
0x4: {  	_ = 	snop  }
0x5: {  	_ = 	snop  }
0x6: {  	_ = 	snop  }
0x7: {  	_ = 	snop  }
__scs_overlays_trampoline_lowered:
0x8: {  	[smem:$0x3FAE] =	sst s0  }
0x9: {  	[smem:$0x3FAF] =	sst s1  }
0xa: {  	[smem:$0x3FB0] =	sst s2  }
0xb: {  	[smem:$0x3FB1] =	sst s3  }
0xc: {  	[smem:$0x3FB2] =	sst s4  }
0xd: {  	[smem:$0x3FB3] =	sst s5  }
0xe: {  	[smem:$0x3FB4] =	sst s6  }
0xf: {  	[smem:$0x3FB5] =	sst s7  }
0x10: {  	[smem:$0x3FB6] =	sst s8  }
0x11: {  	[smem:$0x3FB7] =	sst s9;
	s0 =	simm.s32 @!p0 $0x0  }
0x12: {  	s1 =	sld [smem:$0x3F9D];
	s0 =	simm.s32 @p0 $0x1  }
0x13: {  	[smem:$0x3FB8] =	sst s0;
	s0 =	simm.s32 @!p1 $0x0  }
0x14: {  	s2 =	sld [smem:$0x3F9C];
	s0 =	simm.s32 @p1 $0x1  }
0x15: {  	[smem:$0x3FB9] =	sst s0;
	s0 =	simm.s32 @!p2 $0x0  }
0x16: {  	s3 =	sld [smem:$0x3FDB];
	s0 =	simm.s32 @p2 $0x1  }
0x17: {  	s4 =	simm.s32 $0x1BF5;
	[smem:$0x3FBB] =	sst s0  }
0x18: {  	s0 =	sld [smem:$0x3F9E];
	_ =	swait.ge [sflag:s4], $0x0  }
0x19: {  	s7 =	sld [smem:$0x3F9F]  }
0x1a: {  	s8 =	sadd.s32 $0xFFFFE003, lr  }
0x1b: {  	s9 =	sadd.s32 $0xFFFFFEF7, lr;
	s5 =	simm.s32 $0xFFFFFFFF;
	p2 =	slt.u32 s8, $0xFFFFF086  }
0x1c: {  	p1 =	slt.u32 s9, $0xF7A;
	s5 =	simm.s32 @!p2 $0x0  }
0x1d: {  	s5 =	simm.s32 @p1 $0x1;
	p0 =	seq.s32 s7, s2  }
0x1e: {  	s7 =	smul.u32 @!p0 $0xF7A, s2;
	p2 =	seq.s32 @!p0 s5, $0x0  }
0x1f: {  	s9 =	smul.u32 $0xF7A, s1;
	s8 =	simm.s32 @!p0 $0x1BF5;
	p2 =	por !p2, p0  }
0x20: {  	[sflag:s8] =	ssyncset.s32 @!p0 $0xFFFFF086;
	s6 =	sadd.s32 @!p0 s3, s7;
	s7 =	simm.s32 @!p0 $0x108  }
0x21: {  	s3 =	sadd.s32 s3, s9;
	s6 =	sadd.s32 @!p0 $0x88, s6;
	s7 =	simm.s32 @p2 $0x1082  }
0x22: {  	[simem:s7], [sflag:s8] =	dma.local @!p0 [hbm:s6], $0xF7A  }
0x23: {  	s9 =	sor.u32 $0xD0000000, s2;
	s6 =	simm.s32 $0x108;
	_ =	swait.ge @!p0 [sflag:s8], $0x0  }
0x24: {  	s3 =	sadd.s32 $0x88, s3;
	s6 =	simm.s32 @!p1 $0x1082;
	[sflag:s4] =	ssyncset.s32 $0xFFFFF086  }
0x25: {  	[simem:s6], [sflag:s4] =	dma.local [hbm:s3], $0xF7A  }
0x26: {  	[smem:$0x3F9F] =	sst s1;
	(tag) =	ssettag s2;
	_ =	strace s9  }
0x27: {  	s1 =	sld [smem:$0x3FAF]  }
0x28: {  	s2 =	sld [smem:$0x3FB0]  }
0x29: {  	s4 =	sld [smem:$0x3FB2]  }
0x2a: {  	p0 =	seq.s32 s5, $0x0;
	s5 =	sld [smem:$0x3FB3]  }
0x2b: {  	s6 =	sld [smem:$0x3FB4]  }
0x2c: {  	s7 =	sld [smem:$0x3FB5]  }
0x2d: {  	s3 =	simm.s32 $0x108;
	s8 =	sld [smem:$0x3FB6]  }
0x2e: {  	s3 =	simm.s32 @!p0 $0x1082;
	s9 =	sld [smem:$0x3FB7]  }
0x2f: {  	lr =	sadd.s32 s0, s3;
	s0 =	sld [smem:$0x3FAE]  }
0x30: {  	s3 =	sld [smem:$0x3FB1]  }
0x31: {  	[smem:$0x3FBA] =	sst s10  }
0x32: {  	s10 =	sld [smem:$0x3FB8];
	_ =	sdelay $0x3  }
0x33: {  	p0 =	seq.s32 s10, $0x1;
	s10 =	sld [smem:$0x3FBA];
	_ =	sdelay $0x3  }
0x34: {  	[smem:$0x3FBA] =	sst s10  }
0x35: {  	s10 =	sld [smem:$0x3FB9];
	_ =	sdelay $0x3  }
0x36: {  	p1 =	seq.s32 s10, $0x1;
	s10 =	sld [smem:$0x3FBA];
	_ =	sdelay $0x3  }
0x37: {  	[smem:$0x3FBA] =	sst s10  }
0x38: {  	s10 =	sld [smem:$0x3FBB]  }
0x39: {  	_ = 	snop;
	(pc) =	sbr.ind lr, $3  }
0x3a: {  	_ = 	snop  }
0x3b: {  	_ = 	snop  }
0x3c: {  	p2 =	seq.s32 s10, $0x1;
	s10 =	sld [smem:$0x3FBA]  }
0x3d: {  	_ =	shalt  }
0x3e: {  	_ =	shalt  }
0x3f: {  	_ =	shalt  }
0x40: {  	_ =	shalt  }
0x41: {  	_ =	shalt  }
0x42: {  	_ =	shalt  }
0x43: {  	_ =	shalt  }
0x44: {  	_ =	shalt  }
0x45: {  	_ =	shalt  }
0x46: {  	_ =	shalt  }
0x47: {  	_ =	shalt  }
0x48: {  	_ =	shalt  }
0x49: {  	_ =	shalt  }
0x4a: {  	_ =	shalt  }
0x4b: {  	_ =	shalt  }
0x4c: {  	_ =	shalt  }
0x4d: {  	_ =	shalt  }
0x4e: {  	_ =	shalt  }
0x4f: {  	_ =	shalt  }
0x50: {  	_ =	shalt  }
0x51: {  	_ =	shalt  }
0x52: {  	_ =	shalt  }
0x53: {  	_ =	shalt  }
0x54: {  	_ =	shalt  }
0x55: {  	_ =	shalt  }
0x56: {  	_ =	shalt  }
0x57: {  	_ =	shalt  }
0x58: {  	_ =	shalt  }
0x59: {  	_ =	shalt  }
0x5a: {  	_ =	shalt  }
0x5b: {  	_ =	shalt  }
0x5c: {  	_ =	shalt  }
0x5d: {  	_ =	shalt  }
0x5e: {  	_ =	shalt  }
0x5f: {  	_ =	shalt  }
0x60: {  	_ =	shalt  }
0x61: {  	_ =	shalt  }
0x62: {  	_ =	shalt  }
0x63: {  	_ =	shalt  }
0x64: {  	_ =	shalt  }
0x65: {  	_ =	shalt  }
0x66: {  	_ =	shalt  }
0x67: {  	_ =	shalt  }
0x68: {  	_ =	shalt  }
0x69: {  	_ =	shalt  }
0x6a: {  	_ =	shalt  }
0x6b: {  	_ =	shalt  }
0x6c: {  	_ =	shalt  }
0x6d: {  	_ =	shalt  }
0x6e: {  	_ =	shalt  }
0x6f: {  	_ =	shalt  }
0x70: {  	_ =	shalt  }
0x71: {  	_ =	shalt  }
0x72: {  	_ =	shalt  }
0x73: {  	_ =	shalt  }
0x74: {  	_ =	shalt  }
0x75: {  	_ =	shalt  }
0x76: {  	_ =	shalt  }
0x77: {  	_ =	shalt  }
0x78: {  	_ =	shalt  }
0x79: {  	_ =	shalt  }
0x7a: {  	_ =	shalt  }
0x7b: {  	_ =	shalt  }
0x7c: {  	_ =	shalt  }
0x7d: {  	_ =	shalt  }
0x7e: {  	_ =	shalt  }
0x7f: {  	_ =	shalt  }
0x80: {  	_ =	shalt  }
0x81: {  	_ =	shalt  }
0x82: {  	_ =	shalt  }
0x83: {  	_ =	shalt  }
0x84: {  	_ =	shalt  }
0x85: {  	_ =	shalt  }
0x86: {  	_ =	shalt  }
0x87: {  	_ =	shalt  }
.Lfunc_end0:
.L_simem_size_0:
called_computation_lowered:
.L_overlay_start_0:
0x88: {  	s2 =	sld [smem:$0x3FD9]  }
0x89: {  	s3 =	sld [smem:$0x3FFE];
	_ =	sdelay $0x1  }
0x8a: {  	s1 =	srdreg.scid  }
0x8b: {  	s0 =	sand.u32 $0x1, s1  }
0x8c: {  	s17 =	sshll.u32 s0, $0xA;
	s2 =	sadd.s32 s3, s2  }
0x8d: {  	s2 =	sadd.s32 s2, s17  }
0x8e: {  	[smem:$0x3FC6] =	sst s2  }
0x8f: {  	_ = 	snop  }
0x90: {  	s2 =	sld [smem:$0x3FC8]  }
0x91: {  	s18 =	sld [smem:$0x3FD0];
	(tm) =	ssettm $0x1  }
0x92: {  	s4 =	sld [smem:$0x3FFB];
	_ =	sdelay $0x3  }
0x93: {  	_ =	strace s4  }
0x94: {  	s4 =	sld [smem:$0x3FFC];
	_ =	sdelay $0x3  }
0x95: {  	_ =	strace s4  }
0x96: {  	s4 =	sld [smem:$0x3FFD];
	_ =	sdelay $0x3  }
0x97: {  	_ =	strace s4  }
0x98: {  	_ =	strace $0x8FFFFFFF  }
0x99: {  	s19 =	sld [smem:$0x3FDB];
	_ =	sdelay $0x1  }
0x9a: {  	s5 =	simm.s32 $_scs_section_size  }
0x9b: {  	s6 =	simm.s32 $_size__tile_overlayer_lowered;
	s7 =	simm.s32 $_tile_overlayer_lowered  }
0x9c: {  	s22 =	simm.s32 $0x1BFF;
	s21 =	sshll.u32 s7, $0x1;
	s4 =	sadd.s32 s5, s19  }
0x9d: {  	s8 =	simm.s32 $0x0;
	s20 =	sshll.u32 s6, $0x1;
	s6 =	sadd.s32 s21, s4  }
0x9e: {  	[timem:s8], [sflag:s22] =	dma.local [hbm:s6], s20  }
0x9f: {  	_ =	swait.ge [sflag:s22], s20  }
0xa0: {  	s5 =	ssub.s32 $0x0, s20;
	[sflag:s22] =	ssyncset.done $0x0  }
0xa1: {  	[sflag:s22] =	ssyncadd.s32 s5;
	_ =	sdelay $0x1  }
0xa2: {  	s23 =	simm.s32 $0x1B8B  }
0xa3: {  	_ =	swait.ge [sflag:s23], $0x1  }
0xa4: {  	[sflag:s23] =	ssyncset.done $0x0  }
0xa5: {  	s25 =	simm.s32 $0x1B8E;
	s24 =	sld [smem:$0x3FFE];
	[sflag:s23] =	ssyncadd.s32 $0xFFFFFFFF  }
0xa6: {  	s26 =	simm.s32 $execute0_lowered;
	[smem:$0x3FD2] =	sst s25  }
0xa7: {  	s6 =	sshll.u32 s26, $0x1;
	_ =	strace $0x80000046;
	[dreg:$0x1] =	wrdreg $0xFFFFFFFF  }
0xa8: {  	s28 =	simm.s32 $_size_execute0_lowered;
	s4 =	sadd.s32 s4, s6;
	[dreg:$0x0] =	wrdreg $0x0  }
0xa9: {  	s6 =	sshll.u32 s28, $0x1;
	[dreg:$0x2] =	wrdreg s4  }
0xaa: {  	[dreg:$0x3] =	wrdreg s6  }
0xab: {  	[dreg:$0x4] =	wrdreg $0xC0  }
0xac: {  	_ =	task [dreg:s8], $0x5FFFF  }
0xad: {  	[dreg:$0x1] =	wrdreg $0xFFFFFFFF  }
0xae: {  	[dreg:$0x0] =	wrdreg $0x60  }
0xaf: {  	[dreg:$0x2] =	wrdreg s24  }
0xb0: {  	[dreg:$0x3] =	wrdreg s2  }
0xb1: {  	[dreg:$0x4] =	wrdreg s18  }
0xb2: {  	[dreg:$0x5] =	wrdreg $0x9  }
0xb3: {  	_ =	task.clear_ibuf [dreg:s8], $0x6FFFF;
	_ =	strace $0x90000046  }
0xb4: {  	s29 =	simm.s32 $0x9;
	_ =	strace $0x80000048  }
0xb5: {  	_ =	swait.ge [sflag:s29], $0x1  }
0xb6: {  	[sflag:s29] =	ssyncadd.s32 $0xFFFFFFFF  }
0xb7: {  	_ =	strace $0x90000048  }
0xb8: {  	_ =	sfence  }
0xb9: {  	s30 =	sld [smem:$0x0];
	_ =	sdelay $0x2  }
0xba: {  	s31 =	sshll.u32 s1, $0xD;
	s1 =	sshrl.u32 s1, $0x2  }
0xbb: {  	s3 =	sand.u32 $0x4000, s31;
	s1 =	sadd.s32 s1, s30  }
0xbc: {  	s0 =	sor.u32 s3, s0;
	s1 =	sshll.u32 s1, $0x11  }
0xbd: {  	s0 =	sor.u32 s1, s0  }
0xbe: {  	s0 =	sadd.s32 $0x8F2B, s0  }
0xbf: {  	[sflag:s0] =	ssyncadd.remote.s32 $0x1  }
0xc0: {  	_ =	sfence.sel $0xFFFF  }
0xc1: {  	[dreg:$0x0] =	wrdreg $0xFFFFFFFF;
	(pc) =	sbr.abs _section_cstart, $3  }
0xc2: {  	[dreg:$0x1] =	wrdreg $0xFFFFFFFF  }
0xc3: {  	_ =	task.clear_ibuf [dreg:s8], $0x2FFFF;
	_ =	strace $0x9FFFFFFF  }
0xc4: {  	(tm) =	ssettm $0x7FFFFFFF  }
0xc5: {  	_ =	shalt  }
tec
execute0_lowered:
.L_overlay_start_1:
0x0: {  	(tag) =	ssettag $0x1  }
0x1: {  	s0 =	rddreg [dreg:$0x0]  }
0x2: {  	s2 =	rddreg [dreg:$0x1];
	s1 =	srdreg.scid  }
0x3: {  	s13 =	stileid.u32;
	s4 =	rddreg [dreg:$0x2]  }
0x4: {  	s3 =	simm.s32 $0x0;
	s28 =	simm.s32 $0xB200;
	s29 =	simm.s32 $0xBA00  }
0x5: {  	s30 =	simm.s32 $0xCA00;
	s31 =	simm.s32 $0xDA00;
	s1 =	sand.u32 $0x1, s1  }
0x6: {  	s5 =	sshll.u32 s13, $0x1;
	[smem:$0x7FF] =	sst s3;
	s7 =	sadd.s32 $0x300, s2  }
0x7: {  	s8 =	sadd.s32 $0x400, s2;
	s9 =	sadd.s32 $0x500, s2;
	s11 =	sor.u32 s1, s5  }
0x8: {  	s10 =	sadd.s32 $0x600, s2;
	s6 =	ssub.s32 $0x2, s1;
	s5 =	sshll.u32 s11, $0x6  }
0x9: {  	_ =	strace $0x80000047;
	s15 =	sshrl.u32 s6, $0x1;
	s0 =	sadd.s32 s5, s0  }
0xa: {  	s16 =	sshll.u32 s11, $0x11;
	s12 =	ssub.s32 s6, s15;
	s0 =	sadd.s32 $0x400, s0  }
0xb: {  	s26 =	smax.u32 s12, $0x1;
	[dreg:$0x8] =	wrdreg s0;
	s0 =	sadd.s32 s16, s4  }
0xc: {  	s13 =	sshll.u32 s13, $0x12;
	[dreg:$0x11] =	wrdreg s26;
	s14 =	sadd.s32 $0x1E000, s0  }
0xd: {  	s1 =	sshll.u32 s1, $0x11;
	s15 =	sadd.s32 $0x1E400, s0;
	[dreg:$0x9] =	wrdreg s14  }
0xe: {  	s11 =	sadd.s32 $0x700, s2;
	s18 =	sadd.s32 $0x1E800, s0;
	[dreg:$0xa] =	wrdreg s15  }
0xf: {  	s17 =	sor.u32 s1, s13;
	s19 =	sadd.s32 $0x1EC00, s0;
	[dreg:$0xb] =	wrdreg s18  }
0x10: {  	s6 =	sadd.s32 $0x100, s2;
	s20 =	sadd.s32 $0x1F000, s0;
	[dreg:$0xc] =	wrdreg s19  }
0x11: {  	s5 =	sadd.s32 $0x200, s2;
	s23 =	sadd.s32 $0x1F400, s0;
	[dreg:$0xd] =	wrdreg s20  }
0x12: {  	s12 =	simm.s32 $0xF200;
	s24 =	sadd.s32 $0x1F800, s0;
	[dreg:$0xe] =	wrdreg s23  }
0x13: {  	s26 =	simm.s32 $0xAA00;
	s0 =	sadd.s32 $0x1FC00, s0;
	[dreg:$0xf] =	wrdreg s24  }
0x14: {  	s14 =	sadd.s32 s17, s4;
	s4 =	sadd.s32 s13, s4;
	[dreg:$0x10] =	wrdreg s0  }
0x15: {  	s13 =	simm.s32 $0x8200;
	s23 =	simm.s32 $0x9200;
	s24 =	simm.s32 $0x9A00  }
0x16: {  	s19 =	simm.s32 $0xC200;
	s15 =	simm.s32 $0xD200;
	s21 =	sadd.s32 $0x800, s14  }
0x17: {  	s0 =	simm.s32 $0xE200;
	s22 =	sadd.s32 $0x1000, s14;
	[dreg:$0x4] =	wrdreg s21  }
0x18: {  	s20 =	simm.s32 $0xEA00;
	s1 =	sadd.s32 s1, s4;
	[dreg:$0x5] =	wrdreg s22  }
0x19: {  	v0 =	vlaneseq.u32;
	s25 =	sadd.s32 $0x1800, s14;
	s14 =	simm.s32 $0xFA00;
	[dreg:$0x6] =	wrdreg s1  }
0x1a: {  	v1 =	vshrl.u32 v0, $0x3;
	s4 =	simm.s32 $0x1;
	[dreg:$0x7] =	wrdreg s25;
	s21 =	simm.s32 $0x7A00  }
0x1b: {  	vm0 =	vmmov $0xffff;
	v0 =	vand.u32 $0x7, v0;
	v1 =	vmul.u32 $0x8, v1;
	s22 =	simm.s32 $0x8A00;
	s25 =	simm.s32 $0xA200;
	s1 =	simm.s32 $0x0  }
.LBB2_1:
0x1c: {  	[dreg:$0x12] =	wrdreg s1  }
0x1d: {  	s16 =	rddreg [dreg:$0x8];
	s1 =	simm.s32 $0x9  }
0x1e: {  	[tilespmem:s3], [sflag:$0x9] =	stream.linear.gather [hbm4b:s16+s3], $0x200, $0x38;
	[tilespmem:$0x10200] =	vst v63  }
0x1f: {  	_ =	swait.ge [sflag:s1], $0x200  }
0x20: {  	[sflag:s1] =	ssyncset.done $0x0  }
0x21: {  	[sflag:s1] =	ssyncadd.s32 $0xFFFFFE00  }
0x22: {  	v2 =	vld.msk [tilespmem:$0x0], $0xff;
	_ =	sdelay $0x4  }
0x23: {  	v3 =	vshll.u32 v2, $0x4  }
0x24: {  	v2 =	vand.u32 $0x7, v2;
	v3 =	vand.u32 $0xFFFFFF80, v3  }
0x25: {  	v2 =	vor.u32 v2, v3  }
0x26: {  	v2 =	vperm.xlane v2, v0;
	_ =	sdelay $0x1  }
0x27: {  	v2 =	vadd.s32 v1, v2;
	_ =	sdelay $0x3  }
0x28: {  	s17 =	simm.s32 $0x200  }
0x29: {  	[tilespmem:s17], [sflag:$0x1] =	stream.indirect_vreg.gather [hbm4b:s2+s3], $0x80, v2, vm0, $0xb8;
	[tilespmem:$0x10200] =	vst v63  }
0x2a: {  	s18 =	simm.s32 $0xA00  }
0x2b: {  	[tilespmem:s18], [sflag:$0x1] =	stream.indirect_vreg.gather [hbm4b:s6+s3], $0x80, v2, vm0, $0xb8;
	[tilespmem:$0x10200] =	vst v63  }
0x2c: {  	s1 =	simm.s32 $0x1200  }
0x2d: {  	[tilespmem:s1], [sflag:$0x1] =	stream.indirect_vreg.gather [hbm4b:s5+s3], $0x80, v2, vm0, $0xb8;
	[tilespmem:$0x10200] =	vst v63  }
0x2e: {  	s17 =	simm.s32 $0x1A00  }
0x2f: {  	[tilespmem:s17], [sflag:$0x1] =	stream.indirect_vreg.gather [hbm4b:s7+s3], $0x80, v2, vm0, $0xb8;
	[tilespmem:$0x10200] =	vst v63  }
0x30: {  	s18 =	simm.s32 $0x2200  }
0x31: {  	[tilespmem:s18], [sflag:$0x1] =	stream.indirect_vreg.gather [hbm4b:s8+s3], $0x80, v2, vm0, $0xb8;
	[tilespmem:$0x10200] =	vst v63  }
0x32: {  	s1 =	simm.s32 $0x2A00  }
0x33: {  	[tilespmem:s1], [sflag:$0x1] =	stream.indirect_vreg.gather [hbm4b:s9+s3], $0x80, v2, vm0, $0xb8;
	[tilespmem:$0x10200] =	vst v63  }
0x34: {  	s17 =	simm.s32 $0x3200  }
0x35: {  	[tilespmem:s17], [sflag:$0x1] =	stream.indirect_vreg.gather [hbm4b:s10+s3], $0x80, v2, vm0, $0xb8;
	[tilespmem:$0x10200] =	vst v63  }
0x36: {  	s18 =	simm.s32 $0x3A00  }
0x37: {  	[tilespmem:s18], [sflag:$0x1] =	stream.indirect_vreg.gather [hbm4b:s11+s3], $0x80, v2, vm0, $0xb8;
	[tilespmem:$0x10200] =	vst v63  }
0x38: {  	v2 =	vld.msk [tilespmem:$0x8], $0xff;
	_ =	sdelay $0x4  }
0x39: {  	v3 =	vshll.u32 v2, $0x4  }
0x3a: {  	v2 =	vand.u32 $0x7, v2;
	v3 =	vand.u32 $0xFFFFFF80, v3  }
0x3b: {  	v2 =	vor.u32 v2, v3  }
0x3c: {  	v2 =	vperm.xlane v2, v0;
	_ =	sdelay $0x1  }
0x3d: {  	v2 =	vadd.s32 v1, v2;
	_ =	sdelay $0x3  }
0x3e: {  	s1 =	simm.s32 $0x4200  }
0x3f: {  	[tilespmem:s1], [sflag:$0x2] =	stream.indirect_vreg.gather [hbm4b:s2+s3], $0x80, v2, vm0, $0xb8;
	[tilespmem:$0x10200] =	vst v63  }
0x40: {  	s16 =	simm.s32 $0x4A00  }
0x41: {  	[tilespmem:s16], [sflag:$0x2] =	stream.indirect_vreg.gather [hbm4b:s6+s3], $0x80, v2, vm0, $0xb8;
	[tilespmem:$0x10200] =	vst v63  }
0x42: {  	s17 =	simm.s32 $0x5200  }
0x43: {  	[tilespmem:s17], [sflag:$0x2] =	stream.indirect_vreg.gather [hbm4b:s5+s3], $0x80, v2, vm0, $0xb8;
	[tilespmem:$0x10200] =	vst v63  }
0x44: {  	s18 =	simm.s32 $0x5A00  }
0x45: {  	[tilespmem:s18], [sflag:$0x2] =	stream.indirect_vreg.gather [hbm4b:s7+s3], $0x80, v2, vm0, $0xb8;
	[tilespmem:$0x10200] =	vst v63  }
0x46: {  	s16 =	simm.s32 $0x6200  }
0x47: {  	[tilespmem:s16], [sflag:$0x2] =	stream.indirect_vreg.gather [hbm4b:s8+s3], $0x80, v2, vm0, $0xb8;
	[tilespmem:$0x10200] =	vst v63  }
0x48: {  	s17 =	simm.s32 $0x6A00  }
0x49: {  	[tilespmem:s17], [sflag:$0x2] =	stream.indirect_vreg.gather [hbm4b:s9+s3], $0x80, v2, vm0, $0xb8;
	[tilespmem:$0x10200] =	vst v63  }
0x4a: {  	s18 =	simm.s32 $0x7200  }
0x4b: {  	[tilespmem:s18], [sflag:$0x2] =	stream.indirect_vreg.gather [hbm4b:s10+s3], $0x80, v2, vm0, $0xb8;
	[tilespmem:$0x10200] =	vst v63  }
0x4c: {  	_ = 	snop  }
0x4d: {  	[tilespmem:s21], [sflag:$0x2] =	stream.indirect_vreg.gather [hbm4b:s11+s3], $0x80, v2, vm0, $0xb8;
	[tilespmem:$0x10200] =	vst v63  }
0x4e: {  	v2 =	vld.msk [tilespmem:$0x10], $0xff;
	_ =	sdelay $0x4  }
0x4f: {  	v3 =	vshll.u32 v2, $0x4  }
0x50: {  	v2 =	vand.u32 $0x7, v2;
	v3 =	vand.u32 $0xFFFFFF80, v3  }
0x51: {  	v2 =	vor.u32 v2, v3  }
0x52: {  	v2 =	vperm.xlane v2, v0;
	_ =	sdelay $0x1  }
0x53: {  	v2 =	vadd.s32 v1, v2;
	_ =	sdelay $0x4  }
0x54: {  	[tilespmem:s13], [sflag:$0x3] =	stream.indirect_vreg.gather [hbm4b:s2+s3], $0x80, v2, vm0, $0xb8;
	[tilespmem:$0x10200] =	vst v63  }
0x55: {  	_ = 	snop  }
0x56: {  	[tilespmem:s22], [sflag:$0x3] =	stream.indirect_vreg.gather [hbm4b:s6+s3], $0x80, v2, vm0, $0xb8;
	[tilespmem:$0x10200] =	vst v63  }
0x57: {  	_ = 	snop  }
0x58: {  	[tilespmem:s23], [sflag:$0x3] =	stream.indirect_vreg.gather [hbm4b:s5+s3], $0x80, v2, vm0, $0xb8;
	[tilespmem:$0x10200] =	vst v63  }
0x59: {  	_ = 	snop  }
0x5a: {  	[tilespmem:s24], [sflag:$0x3] =	stream.indirect_vreg.gather [hbm4b:s7+s3], $0x80, v2, vm0, $0xb8;
	[tilespmem:$0x10200] =	vst v63  }
0x5b: {  	_ = 	snop  }
0x5c: {  	[tilespmem:s25], [sflag:$0x3] =	stream.indirect_vreg.gather [hbm4b:s8+s3], $0x80, v2, vm0, $0xb8;
	[tilespmem:$0x10200] =	vst v63  }
0x5d: {  	_ = 	snop  }
0x5e: {  	[tilespmem:s26], [sflag:$0x3] =	stream.indirect_vreg.gather [hbm4b:s9+s3], $0x80, v2, vm0, $0xb8;
	[tilespmem:$0x10200] =	vst v63  }
0x5f: {  	_ = 	snop  }
0x60: {  	[tilespmem:s28], [sflag:$0x3] =	stream.indirect_vreg.gather [hbm4b:s10+s3], $0x80, v2, vm0, $0xb8;
	[tilespmem:$0x10200] =	vst v63  }
0x61: {  	_ = 	snop  }
0x62: {  	[tilespmem:s29], [sflag:$0x3] =	stream.indirect_vreg.gather [hbm4b:s11+s3], $0x80, v2, vm0, $0xb8;
	[tilespmem:$0x10200] =	vst v63  }
0x63: {  	v2 =	vld.msk [tilespmem:$0x18], $0xff;
	_ =	sdelay $0x4  }
0x64: {  	v3 =	vshll.u32 v2, $0x4  }
0x65: {  	v2 =	vand.u32 $0x7, v2;
	v3 =	vand.u32 $0xFFFFFF80, v3  }
0x66: {  	v2 =	vor.u32 v2, v3  }
0x67: {  	v2 =	vperm.xlane v2, v0;
	_ =	sdelay $0x1  }
0x68: {  	v2 =	vadd.s32 v1, v2;
	_ =	sdelay $0x4  }
0x69: {  	[tilespmem:s19], [sflag:$0x4] =	stream.indirect_vreg.gather [hbm4b:s2+s3], $0x80, v2, vm0, $0xb8;
	[tilespmem:$0x10200] =	vst v63  }
0x6a: {  	_ = 	snop  }
0x6b: {  	[tilespmem:s30], [sflag:$0x4] =	stream.indirect_vreg.gather [hbm4b:s6+s3], $0x80, v2, vm0, $0xb8;
	[tilespmem:$0x10200] =	vst v63  }
0x6c: {  	_ = 	snop  }
0x6d: {  	[tilespmem:s15], [sflag:$0x4] =	stream.indirect_vreg.gather [hbm4b:s5+s3], $0x80, v2, vm0, $0xb8;
	[tilespmem:$0x10200] =	vst v63  }
0x6e: {  	_ = 	snop  }
0x6f: {  	[tilespmem:s31], [sflag:$0x4] =	stream.indirect_vreg.gather [hbm4b:s7+s3], $0x80, v2, vm0, $0xb8;
	[tilespmem:$0x10200] =	vst v63  }
0x70: {  	_ = 	snop  }
0x71: {  	[tilespmem:s0], [sflag:$0x4] =	stream.indirect_vreg.gather [hbm4b:s8+s3], $0x80, v2, vm0, $0xb8;
	[tilespmem:$0x10200] =	vst v63  }
0x72: {  	_ = 	snop  }
0x73: {  	[tilespmem:s20], [sflag:$0x4] =	stream.indirect_vreg.gather [hbm4b:s9+s3], $0x80, v2, vm0, $0xb8;
	[tilespmem:$0x10200] =	vst v63  }
0x74: {  	_ = 	snop  }
0x75: {  	[tilespmem:s12], [sflag:$0x4] =	stream.indirect_vreg.gather [hbm4b:s10+s3], $0x80, v2, vm0, $0xb8;
	[tilespmem:$0x10200] =	vst v63  }
0x76: {  	s16 =	simm.s32 $0x38;
	s17 =	simm.s32 $0x0  }
0x77: {  	[tilespmem:s14], [sflag:$0x4] =	stream.indirect_vreg.gather [hbm4b:s11+s3], $0x80, v2, vm0, $0xb8;
	[tilespmem:$0x10200] =	vst v63  }
.LBB2_2:
0x78: {  	_ =	swait.ge [sflag:s4], $0x4000  }
0x79: {  	s18 =	rddreg [dreg:$0x6];
	[sflag:s4] =	ssyncset.done $0x0  }
0x7a: {  	s23 =	simm.s32 $0x200;
	[sflag:s4] =	ssyncadd.s32 $0xFFFFC000;
	s18 =	sadd.s32 s17, s18  }
0x7b: {  	[hbm4b:s18+s3] =	stream.linear.scatter [tilespmem:s23], [sflag:$0x5], $0x200, $0x38;
	[tilespmem:$0x10200] =	vst v63  }
0x7c: {  	s0 =	simm.s32 $0x600;
	s19 =	sadd.s32 $0x40, s18  }
0x7d: {  	[hbm4b:s19+s3] =	stream.linear.scatter [tilespmem:s0], [sflag:$0x5], $0x200, $0x38;
	[tilespmem:$0x10200] =	vst v63  }
0x7e: {  	s24 =	simm.s32 $0xA00;
	s22 =	sadd.s32 $0x80, s18  }
0x7f: {  	[hbm4b:s22+s3] =	stream.linear.scatter [tilespmem:s24], [sflag:$0x5], $0x200, $0x38;
	[tilespmem:$0x10200] =	vst v63  }
0x80: {  	s26 =	simm.s32 $0xE00;
	s25 =	sadd.s32 $0xC0, s18  }
0x81: {  	[hbm4b:s25+s3] =	stream.linear.scatter [tilespmem:s26], [sflag:$0x5], $0x200, $0x38;
	[tilespmem:$0x10200] =	vst v63  }
0x82: {  	s0 =	sadd.s32 $0x100, s18;
	s25 =	simm.s32 $0x1200  }
0x83: {  	[hbm4b:s0+s3] =	stream.linear.scatter [tilespmem:s25], [sflag:$0x5], $0x200, $0x38;
	[tilespmem:$0x10200] =	vst v63  }
0x84: {  	s4 =	simm.s32 $0x1600;
	s1 =	sadd.s32 $0x140, s18  }
0x85: {  	[hbm4b:s1+s3] =	stream.linear.scatter [tilespmem:s4], [sflag:$0x5], $0x200, $0x38;
	[tilespmem:$0x10200] =	vst v63  }
0x86: {  	s12 =	sadd.s32 $0x180, s18;
	s26 =	simm.s32 $0x1A00  }
0x87: {  	[hbm4b:s12+s3] =	stream.linear.scatter [tilespmem:s26], [sflag:$0x5], $0x200, $0x38;
	[tilespmem:$0x10200] =	vst v63  }
0x88: {  	s14 =	simm.s32 $0x1E00;
	s13 =	sadd.s32 $0x1C0, s18  }
0x89: {  	[hbm4b:s13+s3] =	stream.linear.scatter [tilespmem:s14], [sflag:$0x5], $0x200, $0x38;
	[tilespmem:$0x10200] =	vst v63  }
0x8a: {  	s28 =	simm.s32 $0x2200;
	s15 =	sadd.s32 $0x200, s18  }
0x8b: {  	[hbm4b:s15+s3] =	stream.linear.scatter [tilespmem:s28], [sflag:$0x5], $0x200, $0x38;
	[tilespmem:$0x10200] =	vst v63  }
0x8c: {  	s21 =	simm.s32 $0x2600;
	s20 =	sadd.s32 $0x240, s18  }
0x8d: {  	[hbm4b:s20+s3] =	stream.linear.scatter [tilespmem:s21], [sflag:$0x5], $0x200, $0x38;
	[tilespmem:$0x10200] =	vst v63  }
0x8e: {  	s29 =	simm.s32 $0x2A00;
	s22 =	sadd.s32 $0x280, s18  }
0x8f: {  	[hbm4b:s22+s3] =	stream.linear.scatter [tilespmem:s29], [sflag:$0x5], $0x200, $0x38;
	[tilespmem:$0x10200] =	vst v63  }
0x90: {  	s0 =	sadd.s32 $0x2C0, s18;
	s1 =	simm.s32 $0x2E00  }
0x91: {  	[hbm4b:s0+s3] =	stream.linear.scatter [tilespmem:s1], [sflag:$0x5], $0x200, $0x38;
	[tilespmem:$0x10200] =	vst v63  }
0x92: {  	s30 =	simm.s32 $0x3200;
	s4 =	sadd.s32 $0x300, s18  }
0x93: {  	[hbm4b:s4+s3] =	stream.linear.scatter [tilespmem:s30], [sflag:$0x5], $0x200, $0x38;
	[tilespmem:$0x10200] =	vst v63  }
0x94: {  	s12 =	sadd.s32 $0x340, s18;
	s13 =	simm.s32 $0x3600  }
0x95: {  	[hbm4b:s12+s3] =	stream.linear.scatter [tilespmem:s13], [sflag:$0x5], $0x200, $0x38;
	[tilespmem:$0x10200] =	vst v63  }
0x96: {  	s31 =	simm.s32 $0x3A00;
	s14 =	sadd.s32 $0x380, s18  }
0x97: {  	[hbm4b:s14+s3] =	stream.linear.scatter [tilespmem:s31], [sflag:$0x5], $0x200, $0x38;
	[tilespmem:$0x10200] =	vst v63  }
0x98: {  	s15 =	sadd.s32 $0x3C0, s18;
	s20 =	simm.s32 $0x3E00  }
0x99: {  	[hbm4b:s15+s3] =	stream.linear.scatter [tilespmem:s20], [sflag:$0x5], $0x200, $0x38;
	[tilespmem:$0x10200] =	vst v63  }
0x9a: {  	s21 =	sadd.s32 $0x400, s18;
	s22 =	simm.s32 $0x400  }
0x9b: {  	[hbm4b:s21+s3] =	stream.linear.scatter [tilespmem:s22], [sflag:$0x5], $0x200, $0x38;
	[tilespmem:$0x10200] =	vst v63  }
0x9c: {  	s0 =	sadd.s32 $0x440, s18;
	s1 =	simm.s32 $0x800  }
0x9d: {  	[hbm4b:s0+s3] =	stream.linear.scatter [tilespmem:s1], [sflag:$0x5], $0x200, $0x38;
	[tilespmem:$0x10200] =	vst v63  }
0x9e: {  	s4 =	sadd.s32 $0x480, s18;
	s12 =	simm.s32 $0xC00  }
0x9f: {  	[hbm4b:s4+s3] =	stream.linear.scatter [tilespmem:s12], [sflag:$0x5], $0x200, $0x38;
	[tilespmem:$0x10200] =	vst v63  }
0xa0: {  	s13 =	sadd.s32 $0x4C0, s18;
	s14 =	simm.s32 $0x1000  }
0xa1: {  	[hbm4b:s13+s3] =	stream.linear.scatter [tilespmem:s14], [sflag:$0x5], $0x200, $0x38;
	[tilespmem:$0x10200] =	vst v63  }
0xa2: {  	s15 =	sadd.s32 $0x500, s18;
	s20 =	simm.s32 $0x1400  }
0xa3: {  	[hbm4b:s15+s3] =	stream.linear.scatter [tilespmem:s20], [sflag:$0x5], $0x200, $0x38;
	[tilespmem:$0x10200] =	vst v63  }
0xa4: {  	s21 =	sadd.s32 $0x540, s18;
	s22 =	simm.s32 $0x1800  }
0xa5: {  	[hbm4b:s21+s3] =	stream.linear.scatter [tilespmem:s22], [sflag:$0x5], $0x200, $0x38;
	[tilespmem:$0x10200] =	vst v63  }
0xa6: {  	s0 =	sadd.s32 $0x580, s18;
	s1 =	simm.s32 $0x1C00  }
0xa7: {  	[hbm4b:s0+s3] =	stream.linear.scatter [tilespmem:s1], [sflag:$0x5], $0x200, $0x38;
	[tilespmem:$0x10200] =	vst v63  }
0xa8: {  	s4 =	sadd.s32 $0x5C0, s18;
	s12 =	simm.s32 $0x2000  }
0xa9: {  	[hbm4b:s4+s3] =	stream.linear.scatter [tilespmem:s12], [sflag:$0x5], $0x200, $0x38;
	[tilespmem:$0x10200] =	vst v63  }
0xaa: {  	s13 =	sadd.s32 $0x600, s18;
	s14 =	simm.s32 $0x2400  }
0xab: {  	[hbm4b:s13+s3] =	stream.linear.scatter [tilespmem:s14], [sflag:$0x5], $0x200, $0x38;
	[tilespmem:$0x10200] =	vst v63  }
0xac: {  	s15 =	sadd.s32 $0x640, s18;
	s20 =	simm.s32 $0x2800  }
0xad: {  	[hbm4b:s15+s3] =	stream.linear.scatter [tilespmem:s20], [sflag:$0x5], $0x200, $0x38;
	[tilespmem:$0x10200] =	vst v63  }
0xae: {  	s21 =	sadd.s32 $0x680, s18;
	s22 =	simm.s32 $0x2C00  }
0xaf: {  	[hbm4b:s21+s3] =	stream.linear.scatter [tilespmem:s22], [sflag:$0x5], $0x200, $0x38;
	[tilespmem:$0x10200] =	vst v63  }
0xb0: {  	s0 =	sadd.s32 $0x6C0, s18;
	s1 =	simm.s32 $0x3000  }
0xb1: {  	[hbm4b:s0+s3] =	stream.linear.scatter [tilespmem:s1], [sflag:$0x5], $0x200, $0x38;
	[tilespmem:$0x10200] =	vst v63  }
0xb2: {  	s4 =	sadd.s32 $0x700, s18;
	s12 =	simm.s32 $0x3400  }
0xb3: {  	[hbm4b:s4+s3] =	stream.linear.scatter [tilespmem:s12], [sflag:$0x5], $0x200, $0x38;
	[tilespmem:$0x10200] =	vst v63  }
0xb4: {  	s13 =	sadd.s32 $0x740, s18;
	s14 =	simm.s32 $0x3800  }
0xb5: {  	[hbm4b:s13+s3] =	stream.linear.scatter [tilespmem:s14], [sflag:$0x5], $0x200, $0x38;
	[tilespmem:$0x10200] =	vst v63  }
0xb6: {  	s15 =	sadd.s32 $0x780, s18;
	s20 =	simm.s32 $0x3C00  }
0xb7: {  	[hbm4b:s15+s3] =	stream.linear.scatter [tilespmem:s20], [sflag:$0x5], $0x200, $0x38;
	[tilespmem:$0x10200] =	vst v63  }
0xb8: {  	s18 =	sadd.s32 $0x7C0, s18;
	s21 =	simm.s32 $0x4000;
	s22 =	simm.s32 $0x5  }
0xb9: {  	[hbm4b:s18+s3] =	stream.linear.scatter [tilespmem:s21], [sflag:$0x5], $0x200, $0x38;
	[tilespmem:$0x10200] =	vst v63  }
0xba: {  	_ =	swait.ge [sflag:s22], $0x2000  }
0xbb: {  	[sflag:s22] =	ssyncset.done $0x0  }
0xbc: {  	[sflag:s22] =	ssyncadd.s32 $0xFFFFE000  }
0xbd: {  	_ =	swait.ge [sflag:s22], $0x2000  }
0xbe: {  	[sflag:s22] =	ssyncset.done $0x0  }
0xbf: {  	[sflag:s22] =	ssyncadd.s32 $0xFFFFE000  }
0xc0: {  	v2 =	vld.msk [tilespmem:s16+$0xFFFFFFE8], $0xff;
	_ =	sdelay $0x4  }
0xc1: {  	v3 =	vshll.u32 v2, $0x4  }
0xc2: {  	v2 =	vand.u32 $0x7, v2;
	v3 =	vand.u32 $0xFFFFFF80, v3  }
0xc3: {  	v2 =	vor.u32 v2, v3  }
0xc4: {  	v2 =	vperm.xlane v2, v0;
	_ =	sdelay $0x1  }
0xc5: {  	v2 =	vadd.s32 v1, v2;
	_ =	sdelay $0x4  }
0xc6: {  	[tilespmem:s23], [sflag:$0x1] =	stream.indirect_vreg.gather [hbm4b:s2+s3], $0x80, v2, vm0, $0xb8;
	[tilespmem:$0x10200] =	vst v63  }
0xc7: {  	_ = 	snop  }
0xc8: {  	[tilespmem:s24], [sflag:$0x1] =	stream.indirect_vreg.gather [hbm4b:s6+s3], $0x80, v2, vm0, $0xb8;
	[tilespmem:$0x10200] =	vst v63  }
0xc9: {  	_ = 	snop  }
0xca: {  	[tilespmem:s25], [sflag:$0x1] =	stream.indirect_vreg.gather [hbm4b:s5+s3], $0x80, v2, vm0, $0xb8;
	[tilespmem:$0x10200] =	vst v63  }
0xcb: {  	_ = 	snop  }
0xcc: {  	[tilespmem:s26], [sflag:$0x1] =	stream.indirect_vreg.gather [hbm4b:s7+s3], $0x80, v2, vm0, $0xb8;
	[tilespmem:$0x10200] =	vst v63  }
0xcd: {  	_ = 	snop  }
0xce: {  	[tilespmem:s28], [sflag:$0x1] =	stream.indirect_vreg.gather [hbm4b:s8+s3], $0x80, v2, vm0, $0xb8;
	[tilespmem:$0x10200] =	vst v63  }
0xcf: {  	_ = 	snop  }
0xd0: {  	[tilespmem:s29], [sflag:$0x1] =	stream.indirect_vreg.gather [hbm4b:s9+s3], $0x80, v2, vm0, $0xb8;
	[tilespmem:$0x10200] =	vst v63  }
0xd1: {  	_ = 	snop  }
0xd2: {  	[tilespmem:s30], [sflag:$0x1] =	stream.indirect_vreg.gather [hbm4b:s10+s3], $0x80, v2, vm0, $0xb8;
	[tilespmem:$0x10200] =	vst v63  }
0xd3: {  	s1 =	simm.s32 $0x2  }
0xd4: {  	[tilespmem:s31], [sflag:$0x1] =	stream.indirect_vreg.gather [hbm4b:s11+s3], $0x80, v2, vm0, $0xb8;
	[tilespmem:$0x10200] =	vst v63  }
0xd5: {  	_ =	swait.ge [sflag:s1], $0x4000  }
0xd6: {  	s4 =	rddreg [dreg:$0x4];
	[sflag:s1] =	ssyncset.done $0x0  }
0xd7: {  	[sflag:s1] =	ssyncadd.s32 $0xFFFFC000;
	s18 =	sadd.s32 s17, s4;
	s1 =	simm.s32 $0x4200  }
0xd8: {  	[hbm4b:s18+s3] =	stream.linear.scatter [tilespmem:s1], [sflag:$0x6], $0x200, $0x38;
	[tilespmem:$0x10200] =	vst v63  }
0xd9: {  	s13 =	simm.s32 $0x4600;
	s12 =	sadd.s32 $0x40, s18  }
0xda: {  	[hbm4b:s12+s3] =	stream.linear.scatter [tilespmem:s13], [sflag:$0x6], $0x200, $0x38;
	[tilespmem:$0x10200] =	vst v63  }
0xdb: {  	s0 =	simm.s32 $0x4A00;
	s14 =	sadd.s32 $0x80, s18  }
0xdc: {  	[hbm4b:s14+s3] =	stream.linear.scatter [tilespmem:s0], [sflag:$0x6], $0x200, $0x38;
	[tilespmem:$0x10200] =	vst v63  }
0xdd: {  	s20 =	simm.s32 $0x4E00;
	s15 =	sadd.s32 $0xC0, s18  }
0xde: {  	[hbm4b:s15+s3] =	stream.linear.scatter [tilespmem:s20], [sflag:$0x6], $0x200, $0x38;
	[tilespmem:$0x10200] =	vst v63  }
0xdf: {  	s21 =	sadd.s32 $0x100, s18;
	s20 =	simm.s32 $0x5200  }
0xe0: {  	[hbm4b:s21+s3] =	stream.linear.scatter [tilespmem:s20], [sflag:$0x6], $0x200, $0x38;
	[tilespmem:$0x10200] =	vst v63  }
0xe1: {  	s23 =	simm.s32 $0x5600;
	s22 =	sadd.s32 $0x140, s18  }
0xe2: {  	[hbm4b:s22+s3] =	stream.linear.scatter [tilespmem:s23], [sflag:$0x6], $0x200, $0x38;
	[tilespmem:$0x10200] =	vst v63  }
0xe3: {  	s24 =	sadd.s32 $0x180, s18;
	s12 =	simm.s32 $0x5A00  }
0xe4: {  	[hbm4b:s24+s3] =	stream.linear.scatter [tilespmem:s12], [sflag:$0x6], $0x200, $0x38;
	[tilespmem:$0x10200] =	vst v63  }
0xe5: {  	s26 =	simm.s32 $0x5E00;
	s25 =	sadd.s32 $0x1C0, s18  }
0xe6: {  	[hbm4b:s25+s3] =	stream.linear.scatter [tilespmem:s26], [sflag:$0x6], $0x200, $0x38;
	[tilespmem:$0x10200] =	vst v63  }
0xe7: {  	s13 =	sadd.s32 $0x200, s18;
	s14 =	simm.s32 $0x6200  }
0xe8: {  	[hbm4b:s13+s3] =	stream.linear.scatter [tilespmem:s14], [sflag:$0x6], $0x200, $0x38;
	[tilespmem:$0x10200] =	vst v63  }
0xe9: {  	s15 =	sadd.s32 $0x240, s18;
	s21 =	simm.s32 $0x6600  }
0xea: {  	[hbm4b:s15+s3] =	stream.linear.scatter [tilespmem:s21], [sflag:$0x6], $0x200, $0x38;
	[tilespmem:$0x10200] =	vst v63  }
0xeb: {  	s4 =	simm.s32 $0x6A00;
	s22 =	sadd.s32 $0x280, s18  }
0xec: {  	[hbm4b:s22+s3] =	stream.linear.scatter [tilespmem:s4], [sflag:$0x6], $0x200, $0x38;
	[tilespmem:$0x10200] =	vst v63  }
0xed: {  	s23 =	sadd.s32 $0x2C0, s18;
	s13 =	simm.s32 $0x6E00  }
0xee: {  	[hbm4b:s23+s3] =	stream.linear.scatter [tilespmem:s13], [sflag:$0x6], $0x200, $0x38;
	[tilespmem:$0x10200] =	vst v63  }
0xef: {  	s24 =	sadd.s32 $0x300, s18;
	s21 =	simm.s32 $0x7200  }
0xf0: {  	[hbm4b:s24+s3] =	stream.linear.scatter [tilespmem:s21], [sflag:$0x6], $0x200, $0x38;
	[tilespmem:$0x10200] =	vst v63  }
0xf1: {  	s25 =	sadd.s32 $0x340, s18;
	s26 =	simm.s32 $0x7600  }
0xf2: {  	[hbm4b:s25+s3] =	stream.linear.scatter [tilespmem:s26], [sflag:$0x6], $0x200, $0x38;
	[tilespmem:$0x10200] =	vst v63  }
0xf3: {  	s15 =	sadd.s32 $0x380, s18;
	s13 =	simm.s32 $0x7A00  }
0xf4: {  	[hbm4b:s15+s3] =	stream.linear.scatter [tilespmem:s13], [sflag:$0x6], $0x200, $0x38;
	[tilespmem:$0x10200] =	vst v63  }
0xf5: {  	s22 =	sadd.s32 $0x3C0, s18;
	s15 =	simm.s32 $0x7E00  }
0xf6: {  	[hbm4b:s22+s3] =	stream.linear.scatter [tilespmem:s15], [sflag:$0x6], $0x200, $0x38;
	[tilespmem:$0x10200] =	vst v63  }
0xf7: {  	s23 =	sadd.s32 $0x400, s18;
	s24 =	simm.s32 $0x4400  }
0xf8: {  	[hbm4b:s23+s3] =	stream.linear.scatter [tilespmem:s24], [sflag:$0x6], $0x200, $0x38;
	[tilespmem:$0x10200] =	vst v63  }
0xf9: {  	s25 =	sadd.s32 $0x440, s18;
	s26 =	simm.s32 $0x4800  }
0xfa: {  	[hbm4b:s25+s3] =	stream.linear.scatter [tilespmem:s26], [sflag:$0x6], $0x200, $0x38;
	[tilespmem:$0x10200] =	vst v63  }
0xfb: {  	s15 =	sadd.s32 $0x480, s18;
	s22 =	simm.s32 $0x4C00  }
0xfc: {  	[hbm4b:s15+s3] =	stream.linear.scatter [tilespmem:s22], [sflag:$0x6], $0x200, $0x38;
	[tilespmem:$0x10200] =	vst v63  }
0xfd: {  	s23 =	sadd.s32 $0x4C0, s18;
	s24 =	simm.s32 $0x5000  }
0xfe: {  	[hbm4b:s23+s3] =	stream.linear.scatter [tilespmem:s24], [sflag:$0x6], $0x200, $0x38;
	[tilespmem:$0x10200] =	vst v63  }
0xff: {  	s25 =	sadd.s32 $0x500, s18;
	s26 =	simm.s32 $0x5400  }
0x100: {  	[hbm4b:s25+s3] =	stream.linear.scatter [tilespmem:s26], [sflag:$0x6], $0x200, $0x38;
	[tilespmem:$0x10200] =	vst v63  }
0x101: {  	s15 =	sadd.s32 $0x540, s18;
	s22 =	simm.s32 $0x5800  }
0x102: {  	[hbm4b:s15+s3] =	stream.linear.scatter [tilespmem:s22], [sflag:$0x6], $0x200, $0x38;
	[tilespmem:$0x10200] =	vst v63  }
0x103: {  	s23 =	sadd.s32 $0x580, s18;
	s24 =	simm.s32 $0x5C00  }
0x104: {  	[hbm4b:s23+s3] =	stream.linear.scatter [tilespmem:s24], [sflag:$0x6], $0x200, $0x38;
	[tilespmem:$0x10200] =	vst v63  }
0x105: {  	s25 =	sadd.s32 $0x5C0, s18;
	s26 =	simm.s32 $0x6000  }
0x106: {  	[hbm4b:s25+s3] =	stream.linear.scatter [tilespmem:s26], [sflag:$0x6], $0x200, $0x38;
	[tilespmem:$0x10200] =	vst v63  }
0x107: {  	s15 =	sadd.s32 $0x600, s18;
	s22 =	simm.s32 $0x6400  }
0x108: {  	[hbm4b:s15+s3] =	stream.linear.scatter [tilespmem:s22], [sflag:$0x6], $0x200, $0x38;
	[tilespmem:$0x10200] =	vst v63  }
0x109: {  	s23 =	sadd.s32 $0x640, s18;
	s24 =	simm.s32 $0x6800  }
0x10a: {  	[hbm4b:s23+s3] =	stream.linear.scatter [tilespmem:s24], [sflag:$0x6], $0x200, $0x38;
	[tilespmem:$0x10200] =	vst v63  }
0x10b: {  	s25 =	sadd.s32 $0x680, s18;
	s26 =	simm.s32 $0x6C00  }
0x10c: {  	[hbm4b:s25+s3] =	stream.linear.scatter [tilespmem:s26], [sflag:$0x6], $0x200, $0x38;
	[tilespmem:$0x10200] =	vst v63  }
0x10d: {  	s15 =	sadd.s32 $0x6C0, s18;
	s22 =	simm.s32 $0x7000  }
0x10e: {  	[hbm4b:s15+s3] =	stream.linear.scatter [tilespmem:s22], [sflag:$0x6], $0x200, $0x38;
	[tilespmem:$0x10200] =	vst v63  }
0x10f: {  	s23 =	sadd.s32 $0x700, s18;
	s24 =	simm.s32 $0x7400  }
0x110: {  	[hbm4b:s23+s3] =	stream.linear.scatter [tilespmem:s24], [sflag:$0x6], $0x200, $0x38;
	[tilespmem:$0x10200] =	vst v63  }
0x111: {  	s25 =	sadd.s32 $0x740, s18;
	s26 =	simm.s32 $0x7800  }
0x112: {  	[hbm4b:s25+s3] =	stream.linear.scatter [tilespmem:s26], [sflag:$0x6], $0x200, $0x38;
	[tilespmem:$0x10200] =	vst v63  }
0x113: {  	s22 =	sadd.s32 $0x780, s18;
	s23 =	simm.s32 $0x7C00  }
0x114: {  	[hbm4b:s22+s3] =	stream.linear.scatter [tilespmem:s23], [sflag:$0x6], $0x200, $0x38;
	[tilespmem:$0x10200] =	vst v63  }
0x115: {  	s18 =	sadd.s32 $0x7C0, s18;
	s24 =	simm.s32 $0x8000;
	s25 =	simm.s32 $0x6  }
0x116: {  	[hbm4b:s18+s3] =	stream.linear.scatter [tilespmem:s24], [sflag:$0x6], $0x200, $0x38;
	[tilespmem:$0x10200] =	vst v63  }
0x117: {  	_ =	swait.ge [sflag:s25], $0x2000  }
0x118: {  	[sflag:s25] =	ssyncset.done $0x0  }
0x119: {  	[sflag:s25] =	ssyncadd.s32 $0xFFFFE000  }
0x11a: {  	_ =	swait.ge [sflag:s25], $0x2000  }
0x11b: {  	[sflag:s25] =	ssyncset.done $0x0  }
0x11c: {  	[sflag:s25] =	ssyncadd.s32 $0xFFFFE000  }
0x11d: {  	v2 =	vld.msk [tilespmem:s16+$0xFFFFFFF0], $0xff;
	_ =	sdelay $0x4  }
0x11e: {  	v3 =	vshll.u32 v2, $0x4  }
0x11f: {  	v2 =	vand.u32 $0x7, v2;
	v3 =	vand.u32 $0xFFFFFF80, v3  }
0x120: {  	v2 =	vor.u32 v2, v3  }
0x121: {  	v2 =	vperm.xlane v2, v0;
	_ =	sdelay $0x1  }
0x122: {  	v2 =	vadd.s32 v1, v2;
	_ =	sdelay $0x4  }
0x123: {  	[tilespmem:s1], [sflag:$0x2] =	stream.indirect_vreg.gather [hbm4b:s2+s3], $0x80, v2, vm0, $0xb8;
	[tilespmem:$0x10200] =	vst v63  }
0x124: {  	_ = 	snop  }
0x125: {  	[tilespmem:s0], [sflag:$0x2] =	stream.indirect_vreg.gather [hbm4b:s6+s3], $0x80, v2, vm0, $0xb8;
	[tilespmem:$0x10200] =	vst v63  }
0x126: {  	_ = 	snop  }
0x127: {  	[tilespmem:s20], [sflag:$0x2] =	stream.indirect_vreg.gather [hbm4b:s5+s3], $0x80, v2, vm0, $0xb8;
	[tilespmem:$0x10200] =	vst v63  }
0x128: {  	_ = 	snop  }
0x129: {  	[tilespmem:s12], [sflag:$0x2] =	stream.indirect_vreg.gather [hbm4b:s7+s3], $0x80, v2, vm0, $0xb8;
	[tilespmem:$0x10200] =	vst v63  }
0x12a: {  	_ = 	snop  }
0x12b: {  	[tilespmem:s14], [sflag:$0x2] =	stream.indirect_vreg.gather [hbm4b:s8+s3], $0x80, v2, vm0, $0xb8;
	[tilespmem:$0x10200] =	vst v63  }
0x12c: {  	_ = 	snop  }
0x12d: {  	[tilespmem:s4], [sflag:$0x2] =	stream.indirect_vreg.gather [hbm4b:s9+s3], $0x80, v2, vm0, $0xb8;
	[tilespmem:$0x10200] =	vst v63  }
0x12e: {  	_ = 	snop  }
0x12f: {  	[tilespmem:s21], [sflag:$0x2] =	stream.indirect_vreg.gather [hbm4b:s10+s3], $0x80, v2, vm0, $0xb8;
	[tilespmem:$0x10200] =	vst v63  }
0x130: {  	s26 =	simm.s32 $0x3  }
0x131: {  	[tilespmem:s13], [sflag:$0x2] =	stream.indirect_vreg.gather [hbm4b:s11+s3], $0x80, v2, vm0, $0xb8;
	[tilespmem:$0x10200] =	vst v63  }
0x132: {  	_ =	swait.ge [sflag:s26], $0x4000  }
0x133: {  	s1 =	rddreg [dreg:$0x5];
	[sflag:s26] =	ssyncset.done $0x0  }
0x134: {  	s22 =	simm.s32 $0x8200;
	[sflag:s26] =	ssyncadd.s32 $0xFFFFC000;
	s18 =	sadd.s32 s17, s1  }
0x135: {  	[hbm4b:s18+s3] =	stream.linear.scatter [tilespmem:s22], [sflag:$0x7], $0x200, $0x38;
	[tilespmem:$0x10200] =	vst v63  }
0x136: {  	s12 =	simm.s32 $0x8600;
	s4 =	sadd.s32 $0x40, s18  }
0x137: {  	[hbm4b:s4+s3] =	stream.linear.scatter [tilespmem:s12], [sflag:$0x7], $0x200, $0x38;
	[tilespmem:$0x10200] =	vst v63  }
0x138: {  	s23 =	simm.s32 $0x8A00;
	s13 =	sadd.s32 $0x80, s18  }
0x139: {  	[hbm4b:s13+s3] =	stream.linear.scatter [tilespmem:s23], [sflag:$0x7], $0x200, $0x38;
	[tilespmem:$0x10200] =	vst v63  }
0x13a: {  	s15 =	simm.s32 $0x8E00;
	s14 =	sadd.s32 $0xC0, s18  }
0x13b: {  	[hbm4b:s14+s3] =	stream.linear.scatter [tilespmem:s15], [sflag:$0x7], $0x200, $0x38;
	[tilespmem:$0x10200] =	vst v63  }
0x13c: {  	s24 =	simm.s32 $0x9200;
	s20 =	sadd.s32 $0x100, s18  }
0x13d: {  	[hbm4b:s20+s3] =	stream.linear.scatter [tilespmem:s24], [sflag:$0x7], $0x200, $0x38;
	[tilespmem:$0x10200] =	vst v63  }
0x13e: {  	s26 =	simm.s32 $0x9600;
	s25 =	sadd.s32 $0x140, s18  }
0x13f: {  	[hbm4b:s25+s3] =	stream.linear.scatter [tilespmem:s26], [sflag:$0x7], $0x200, $0x38;
	[tilespmem:$0x10200] =	vst v63  }
0x140: {  	s1 =	sadd.s32 $0x180, s18;
	s25 =	simm.s32 $0x9A00  }
0x141: {  	[hbm4b:s1+s3] =	stream.linear.scatter [tilespmem:s25], [sflag:$0x7], $0x200, $0x38;
	[tilespmem:$0x10200] =	vst v63  }
0x142: {  	s4 =	sadd.s32 $0x1C0, s18;
	s12 =	simm.s32 $0x9E00  }
0x143: {  	[hbm4b:s4+s3] =	stream.linear.scatter [tilespmem:s12], [sflag:$0x7], $0x200, $0x38;
	[tilespmem:$0x10200] =	vst v63  }
0x144: {  	s13 =	sadd.s32 $0x200, s18;
	s26 =	simm.s32 $0xA200  }
0x145: {  	[hbm4b:s13+s3] =	stream.linear.scatter [tilespmem:s26], [sflag:$0x7], $0x200, $0x38;
	[tilespmem:$0x10200] =	vst v63  }
0x146: {  	s14 =	sadd.s32 $0x240, s18;
	s15 =	simm.s32 $0xA600  }
0x147: {  	[hbm4b:s14+s3] =	stream.linear.scatter [tilespmem:s15], [sflag:$0x7], $0x200, $0x38;
	[tilespmem:$0x10200] =	vst v63  }
0x148: {  	s28 =	simm.s32 $0xAA00;
	s20 =	sadd.s32 $0x280, s18  }
0x149: {  	[hbm4b:s20+s3] =	stream.linear.scatter [tilespmem:s28], [sflag:$0x7], $0x200, $0x38;
	[tilespmem:$0x10200] =	vst v63  }
0x14a: {  	s0 =	sadd.s32 $0x2C0, s18;
	s1 =	simm.s32 $0xAE00  }
0x14b: {  	[hbm4b:s0+s3] =	stream.linear.scatter [tilespmem:s1], [sflag:$0x7], $0x200, $0x38;
	[tilespmem:$0x10200] =	vst v63  }
0x14c: {  	s29 =	simm.s32 $0xB200;
	s4 =	sadd.s32 $0x300, s18  }
0x14d: {  	[hbm4b:s4+s3] =	stream.linear.scatter [tilespmem:s29], [sflag:$0x7], $0x200, $0x38;
	[tilespmem:$0x10200] =	vst v63  }
0x14e: {  	s12 =	sadd.s32 $0x340, s18;
	s13 =	simm.s32 $0xB600  }
0x14f: {  	[hbm4b:s12+s3] =	stream.linear.scatter [tilespmem:s13], [sflag:$0x7], $0x200, $0x38;
	[tilespmem:$0x10200] =	vst v63  }
0x150: {  	s30 =	simm.s32 $0xBA00;
	s14 =	sadd.s32 $0x380, s18  }
0x151: {  	[hbm4b:s14+s3] =	stream.linear.scatter [tilespmem:s30], [sflag:$0x7], $0x200, $0x38;
	[tilespmem:$0x10200] =	vst v63  }
0x152: {  	s15 =	sadd.s32 $0x3C0, s18;
	s20 =	simm.s32 $0xBE00  }
0x153: {  	[hbm4b:s15+s3] =	stream.linear.scatter [tilespmem:s20], [sflag:$0x7], $0x200, $0x38;
	[tilespmem:$0x10200] =	vst v63  }
0x154: {  	s0 =	sadd.s32 $0x400, s18;
	s1 =	simm.s32 $0x8400  }
0x155: {  	[hbm4b:s0+s3] =	stream.linear.scatter [tilespmem:s1], [sflag:$0x7], $0x200, $0x38;
	[tilespmem:$0x10200] =	vst v63  }
0x156: {  	s4 =	sadd.s32 $0x440, s18;
	s12 =	simm.s32 $0x8800  }
0x157: {  	[hbm4b:s4+s3] =	stream.linear.scatter [tilespmem:s12], [sflag:$0x7], $0x200, $0x38;
	[tilespmem:$0x10200] =	vst v63  }
0x158: {  	s13 =	sadd.s32 $0x480, s18;
	s14 =	simm.s32 $0x8C00  }
0x159: {  	[hbm4b:s13+s3] =	stream.linear.scatter [tilespmem:s14], [sflag:$0x7], $0x200, $0x38;
	[tilespmem:$0x10200] =	vst v63  }
0x15a: {  	s15 =	sadd.s32 $0x4C0, s18;
	s20 =	simm.s32 $0x9000  }
0x15b: {  	[hbm4b:s15+s3] =	stream.linear.scatter [tilespmem:s20], [sflag:$0x7], $0x200, $0x38;
	[tilespmem:$0x10200] =	vst v63  }
0x15c: {  	s0 =	sadd.s32 $0x500, s18;
	s1 =	simm.s32 $0x9400  }
0x15d: {  	[hbm4b:s0+s3] =	stream.linear.scatter [tilespmem:s1], [sflag:$0x7], $0x200, $0x38;
	[tilespmem:$0x10200] =	vst v63  }
0x15e: {  	s4 =	sadd.s32 $0x540, s18;
	s12 =	simm.s32 $0x9800  }
0x15f: {  	[hbm4b:s4+s3] =	stream.linear.scatter [tilespmem:s12], [sflag:$0x7], $0x200, $0x38;
	[tilespmem:$0x10200] =	vst v63  }
0x160: {  	s13 =	sadd.s32 $0x580, s18;
	s14 =	simm.s32 $0x9C00  }
0x161: {  	[hbm4b:s13+s3] =	stream.linear.scatter [tilespmem:s14], [sflag:$0x7], $0x200, $0x38;
	[tilespmem:$0x10200] =	vst v63  }
0x162: {  	s15 =	sadd.s32 $0x5C0, s18;
	s20 =	simm.s32 $0xA000  }
0x163: {  	[hbm4b:s15+s3] =	stream.linear.scatter [tilespmem:s20], [sflag:$0x7], $0x200, $0x38;
	[tilespmem:$0x10200] =	vst v63  }
0x164: {  	s0 =	sadd.s32 $0x600, s18;
	s1 =	simm.s32 $0xA400  }
0x165: {  	[hbm4b:s0+s3] =	stream.linear.scatter [tilespmem:s1], [sflag:$0x7], $0x200, $0x38;
	[tilespmem:$0x10200] =	vst v63  }
0x166: {  	s4 =	sadd.s32 $0x640, s18;
	s12 =	simm.s32 $0xA800  }
0x167: {  	[hbm4b:s4+s3] =	stream.linear.scatter [tilespmem:s12], [sflag:$0x7], $0x200, $0x38;
	[tilespmem:$0x10200] =	vst v63  }
0x168: {  	s13 =	sadd.s32 $0x680, s18;
	s14 =	simm.s32 $0xAC00  }
0x169: {  	[hbm4b:s13+s3] =	stream.linear.scatter [tilespmem:s14], [sflag:$0x7], $0x200, $0x38;
	[tilespmem:$0x10200] =	vst v63  }
0x16a: {  	s15 =	sadd.s32 $0x6C0, s18;
	s20 =	simm.s32 $0xB000  }
0x16b: {  	[hbm4b:s15+s3] =	stream.linear.scatter [tilespmem:s20], [sflag:$0x7], $0x200, $0x38;
	[tilespmem:$0x10200] =	vst v63  }
0x16c: {  	s0 =	sadd.s32 $0x700, s18;
	s1 =	simm.s32 $0xB400  }
0x16d: {  	[hbm4b:s0+s3] =	stream.linear.scatter [tilespmem:s1], [sflag:$0x7], $0x200, $0x38;
	[tilespmem:$0x10200] =	vst v63  }
0x16e: {  	s4 =	sadd.s32 $0x740, s18;
	s12 =	simm.s32 $0xB800  }
0x16f: {  	[hbm4b:s4+s3] =	stream.linear.scatter [tilespmem:s12], [sflag:$0x7], $0x200, $0x38;
	[tilespmem:$0x10200] =	vst v63  }
0x170: {  	s13 =	sadd.s32 $0x780, s18;
	s14 =	simm.s32 $0xBC00  }
0x171: {  	[hbm4b:s13+s3] =	stream.linear.scatter [tilespmem:s14], [sflag:$0x7], $0x200, $0x38;
	[tilespmem:$0x10200] =	vst v63  }
0x172: {  	s18 =	sadd.s32 $0x7C0, s18;
	s15 =	simm.s32 $0xC000  }
0x173: {  	[hbm4b:s18+s3] =	stream.linear.scatter [tilespmem:s15], [sflag:$0x7], $0x200, $0x38;
	[tilespmem:$0x10200] =	vst v63  }
0x174: {  	s18 =	simm.s32 $0x7  }
0x175: {  	_ =	swait.ge [sflag:s18], $0x2000  }
0x176: {  	[sflag:s18] =	ssyncset.done $0x0  }
0x177: {  	[sflag:s18] =	ssyncadd.s32 $0xFFFFE000  }
0x178: {  	_ =	swait.ge [sflag:s18], $0x2000  }
0x179: {  	[sflag:s18] =	ssyncset.done $0x0  }
0x17a: {  	[sflag:s18] =	ssyncadd.s32 $0xFFFFE000  }
0x17b: {  	v2 =	vld.msk [tilespmem:s16+$0xFFFFFFF8], $0xff;
	_ =	sdelay $0x4  }
0x17c: {  	v3 =	vshll.u32 v2, $0x4  }
0x17d: {  	v2 =	vand.u32 $0x7, v2;
	v3 =	vand.u32 $0xFFFFFF80, v3  }
0x17e: {  	v2 =	vor.u32 v2, v3  }
0x17f: {  	v2 =	vperm.xlane v2, v0;
	_ =	sdelay $0x1  }
0x180: {  	v2 =	vadd.s32 v1, v2;
	_ =	sdelay $0x4  }
0x181: {  	[tilespmem:s22], [sflag:$0x3] =	stream.indirect_vreg.gather [hbm4b:s2+s3], $0x80, v2, vm0, $0xb8;
	[tilespmem:$0x10200] =	vst v63  }
0x182: {  	_ = 	snop  }
0x183: {  	[tilespmem:s23], [sflag:$0x3] =	stream.indirect_vreg.gather [hbm4b:s6+s3], $0x80, v2, vm0, $0xb8;
	[tilespmem:$0x10200] =	vst v63  }
0x184: {  	_ = 	snop  }
0x185: {  	[tilespmem:s24], [sflag:$0x3] =	stream.indirect_vreg.gather [hbm4b:s5+s3], $0x80, v2, vm0, $0xb8;
	[tilespmem:$0x10200] =	vst v63  }
0x186: {  	_ = 	snop  }
0x187: {  	[tilespmem:s25], [sflag:$0x3] =	stream.indirect_vreg.gather [hbm4b:s7+s3], $0x80, v2, vm0, $0xb8;
	[tilespmem:$0x10200] =	vst v63  }
0x188: {  	_ = 	snop  }
0x189: {  	[tilespmem:s26], [sflag:$0x3] =	stream.indirect_vreg.gather [hbm4b:s8+s3], $0x80, v2, vm0, $0xb8;
	[tilespmem:$0x10200] =	vst v63  }
0x18a: {  	_ = 	snop  }
0x18b: {  	[tilespmem:s28], [sflag:$0x3] =	stream.indirect_vreg.gather [hbm4b:s9+s3], $0x80, v2, vm0, $0xb8;
	[tilespmem:$0x10200] =	vst v63  }
0x18c: {  	_ = 	snop  }
0x18d: {  	[tilespmem:s29], [sflag:$0x3] =	stream.indirect_vreg.gather [hbm4b:s10+s3], $0x80, v2, vm0, $0xb8;
	[tilespmem:$0x10200] =	vst v63  }
0x18e: {  	s19 =	simm.s32 $0x4  }
0x18f: {  	[tilespmem:s30], [sflag:$0x3] =	stream.indirect_vreg.gather [hbm4b:s11+s3], $0x80, v2, vm0, $0xb8;
	[tilespmem:$0x10200] =	vst v63  }
0x190: {  	_ =	swait.ge [sflag:s19], $0x4000  }
0x191: {  	s20 =	rddreg [dreg:$0x7];
	[sflag:s19] =	ssyncset.done $0x0  }
0x192: {  	s30 =	simm.s32 $0xC200;
	[sflag:s19] =	ssyncadd.s32 $0xFFFFC000;
	s18 =	sadd.s32 s17, s20  }
0x193: {  	[hbm4b:s18+s3] =	stream.linear.scatter [tilespmem:s30], [sflag:$0x8], $0x200, $0x38;
	[tilespmem:$0x10200] =	vst v63  }
0x194: {  	s4 =	simm.s32 $0xC600;
	s1 =	sadd.s32 $0x40, s18  }
0x195: {  	[hbm4b:s1+s3] =	stream.linear.scatter [tilespmem:s4], [sflag:$0x8], $0x200, $0x38;
	[tilespmem:$0x10200] =	vst v63  }
0x196: {  	s15 =	simm.s32 $0xCA00;
	s12 =	sadd.s32 $0x80, s18  }
0x197: {  	[hbm4b:s12+s3] =	stream.linear.scatter [tilespmem:s15], [sflag:$0x8], $0x200, $0x38;
	[tilespmem:$0x10200] =	vst v63  }
0x198: {  	s20 =	simm.s32 $0xCE00;
	s14 =	sadd.s32 $0xC0, s18  }
0x199: {  	[hbm4b:s14+s3] =	stream.linear.scatter [tilespmem:s20], [sflag:$0x8], $0x200, $0x38;
	[tilespmem:$0x10200] =	vst v63  }
0x19a: {  	s31 =	simm.s32 $0xD200;
	s0 =	sadd.s32 $0x100, s18  }
0x19b: {  	[hbm4b:s0+s3] =	stream.linear.scatter [tilespmem:s31], [sflag:$0x8], $0x200, $0x38;
	[tilespmem:$0x10200] =	vst v63  }
0x19c: {  	s1 =	sadd.s32 $0x140, s18;
	s4 =	simm.s32 $0xD600  }
0x19d: {  	[hbm4b:s1+s3] =	stream.linear.scatter [tilespmem:s4], [sflag:$0x8], $0x200, $0x38;
	[tilespmem:$0x10200] =	vst v63  }
0x19e: {  	s12 =	sadd.s32 $0x180, s18;
	s1 =	simm.s32 $0xDA00  }
0x19f: {  	[hbm4b:s12+s3] =	stream.linear.scatter [tilespmem:s1], [sflag:$0x8], $0x200, $0x38;
	[tilespmem:$0x10200] =	vst v63  }
0x1a0: {  	s14 =	sadd.s32 $0x1C0, s18;
	s20 =	simm.s32 $0xDE00  }
0x1a1: {  	[hbm4b:s14+s3] =	stream.linear.scatter [tilespmem:s20], [sflag:$0x8], $0x200, $0x38;
	[tilespmem:$0x10200] =	vst v63  }
0x1a2: {  	s4 =	sadd.s32 $0x200, s18;
	s20 =	simm.s32 $0xE200  }
0x1a3: {  	[hbm4b:s4+s3] =	stream.linear.scatter [tilespmem:s20], [sflag:$0x8], $0x200, $0x38;
	[tilespmem:$0x10200] =	vst v63  }
0x1a4: {  	s12 =	sadd.s32 $0x240, s18;
	s14 =	simm.s32 $0xE600  }
0x1a5: {  	[hbm4b:s12+s3] =	stream.linear.scatter [tilespmem:s14], [sflag:$0x8], $0x200, $0x38;
	[tilespmem:$0x10200] =	vst v63  }
0x1a6: {  	s0 =	sadd.s32 $0x280, s18;
	s12 =	simm.s32 $0xEA00  }
0x1a7: {  	[hbm4b:s0+s3] =	stream.linear.scatter [tilespmem:s12], [sflag:$0x8], $0x200, $0x38;
	[tilespmem:$0x10200] =	vst v63  }
0x1a8: {  	s4 =	sadd.s32 $0x2C0, s18;
	s14 =	simm.s32 $0xEE00  }
0x1a9: {  	[hbm4b:s4+s3] =	stream.linear.scatter [tilespmem:s14], [sflag:$0x8], $0x200, $0x38;
	[tilespmem:$0x10200] =	vst v63  }
0x1aa: {  	s4 =	sadd.s32 $0x300, s18;
	s14 =	simm.s32 $0xF200  }
0x1ab: {  	[hbm4b:s4+s3] =	stream.linear.scatter [tilespmem:s14], [sflag:$0x8], $0x200, $0x38;
	[tilespmem:$0x10200] =	vst v63  }
0x1ac: {  	s0 =	sadd.s32 $0x340, s18;
	s4 =	simm.s32 $0xF600  }
0x1ad: {  	[hbm4b:s0+s3] =	stream.linear.scatter [tilespmem:s4], [sflag:$0x8], $0x200, $0x38;
	[tilespmem:$0x10200] =	vst v63  }
0x1ae: {  	s0 =	sadd.s32 $0x380, s18;
	s4 =	simm.s32 $0xFA00  }
0x1af: {  	[hbm4b:s0+s3] =	stream.linear.scatter [tilespmem:s4], [sflag:$0x8], $0x200, $0x38;
	[tilespmem:$0x10200] =	vst v63  }
0x1b0: {  	s19 =	sadd.s32 $0x3C0, s18;
	s0 =	simm.s32 $0xFE00  }
0x1b1: {  	[hbm4b:s19+s3] =	stream.linear.scatter [tilespmem:s0], [sflag:$0x8], $0x200, $0x38;
	[tilespmem:$0x10200] =	vst v63  }
0x1b2: {  	s19 =	sadd.s32 $0x400, s18;
	s0 =	simm.s32 $0xC400  }
0x1b3: {  	[hbm4b:s19+s3] =	stream.linear.scatter [tilespmem:s0], [sflag:$0x8], $0x200, $0x38;
	[tilespmem:$0x10200] =	vst v63  }
0x1b4: {  	s19 =	sadd.s32 $0x440, s18;
	s0 =	simm.s32 $0xC800  }
0x1b5: {  	[hbm4b:s19+s3] =	stream.linear.scatter [tilespmem:s0], [sflag:$0x8], $0x200, $0x38;
	[tilespmem:$0x10200] =	vst v63  }
0x1b6: {  	s19 =	sadd.s32 $0x480, s18;
	s0 =	simm.s32 $0xCC00  }
0x1b7: {  	[hbm4b:s19+s3] =	stream.linear.scatter [tilespmem:s0], [sflag:$0x8], $0x200, $0x38;
	[tilespmem:$0x10200] =	vst v63  }
0x1b8: {  	s19 =	sadd.s32 $0x4C0, s18;
	s0 =	simm.s32 $0xD000  }
0x1b9: {  	[hbm4b:s19+s3] =	stream.linear.scatter [tilespmem:s0], [sflag:$0x8], $0x200, $0x38;
	[tilespmem:$0x10200] =	vst v63  }
0x1ba: {  	s19 =	sadd.s32 $0x500, s18;
	s0 =	simm.s32 $0xD400  }
0x1bb: {  	[hbm4b:s19+s3] =	stream.linear.scatter [tilespmem:s0], [sflag:$0x8], $0x200, $0x38;
	[tilespmem:$0x10200] =	vst v63  }
0x1bc: {  	s19 =	sadd.s32 $0x540, s18;
	s0 =	simm.s32 $0xD800  }
0x1bd: {  	[hbm4b:s19+s3] =	stream.linear.scatter [tilespmem:s0], [sflag:$0x8], $0x200, $0x38;
	[tilespmem:$0x10200] =	vst v63  }
0x1be: {  	s19 =	sadd.s32 $0x580, s18;
	s0 =	simm.s32 $0xDC00  }
0x1bf: {  	[hbm4b:s19+s3] =	stream.linear.scatter [tilespmem:s0], [sflag:$0x8], $0x200, $0x38;
	[tilespmem:$0x10200] =	vst v63  }
0x1c0: {  	s19 =	sadd.s32 $0x5C0, s18;
	s0 =	simm.s32 $0xE000  }
0x1c1: {  	[hbm4b:s19+s3] =	stream.linear.scatter [tilespmem:s0], [sflag:$0x8], $0x200, $0x38;
	[tilespmem:$0x10200] =	vst v63  }
0x1c2: {  	s19 =	sadd.s32 $0x600, s18;
	s0 =	simm.s32 $0xE400  }
0x1c3: {  	[hbm4b:s19+s3] =	stream.linear.scatter [tilespmem:s0], [sflag:$0x8], $0x200, $0x38;
	[tilespmem:$0x10200] =	vst v63  }
0x1c4: {  	s19 =	sadd.s32 $0x640, s18;
	s0 =	simm.s32 $0xE800  }
0x1c5: {  	[hbm4b:s19+s3] =	stream.linear.scatter [tilespmem:s0], [sflag:$0x8], $0x200, $0x38;
	[tilespmem:$0x10200] =	vst v63  }
0x1c6: {  	s19 =	sadd.s32 $0x680, s18;
	s0 =	simm.s32 $0xEC00  }
0x1c7: {  	[hbm4b:s19+s3] =	stream.linear.scatter [tilespmem:s0], [sflag:$0x8], $0x200, $0x38;
	[tilespmem:$0x10200] =	vst v63  }
0x1c8: {  	s19 =	sadd.s32 $0x6C0, s18;
	s0 =	simm.s32 $0xF000  }
0x1c9: {  	[hbm4b:s19+s3] =	stream.linear.scatter [tilespmem:s0], [sflag:$0x8], $0x200, $0x38;
	[tilespmem:$0x10200] =	vst v63  }
0x1ca: {  	s19 =	sadd.s32 $0x700, s18;
	s0 =	simm.s32 $0xF400  }
0x1cb: {  	[hbm4b:s19+s3] =	stream.linear.scatter [tilespmem:s0], [sflag:$0x8], $0x200, $0x38;
	[tilespmem:$0x10200] =	vst v63  }
0x1cc: {  	s19 =	sadd.s32 $0x740, s18;
	s0 =	simm.s32 $0xF800  }
0x1cd: {  	[hbm4b:s19+s3] =	stream.linear.scatter [tilespmem:s0], [sflag:$0x8], $0x200, $0x38;
	[tilespmem:$0x10200] =	vst v63  }
0x1ce: {  	s19 =	sadd.s32 $0x780, s18;
	s0 =	simm.s32 $0xFC00  }
0x1cf: {  	[hbm4b:s19+s3] =	stream.linear.scatter [tilespmem:s0], [sflag:$0x8], $0x200, $0x38;
	[tilespmem:$0x10200] =	vst v63  }
0x1d0: {  	s18 =	sadd.s32 $0x7C0, s18;
	s19 =	simm.s32 $0x10000  }
0x1d1: {  	[hbm4b:s18+s3] =	stream.linear.scatter [tilespmem:s19], [sflag:$0x8], $0x200, $0x38;
	[tilespmem:$0x10200] =	vst v63  }
0x1d2: {  	s19 =	simm.s32 $0x8  }
0x1d3: {  	_ =	swait.ge [sflag:s19], $0x2000  }
0x1d4: {  	[sflag:s19] =	ssyncset.done $0x0  }
0x1d5: {  	[sflag:s19] =	ssyncadd.s32 $0xFFFFE000  }
0x1d6: {  	_ =	swait.ge [sflag:s19], $0x2000  }
0x1d7: {  	[sflag:s19] =	ssyncset.done $0x0  }
0x1d8: {  	[sflag:s19] =	ssyncadd.s32 $0xFFFFE000  }
0x1d9: {  	v2 =	vld.msk [tilespmem:s16+$0x0], $0xff;
	_ =	sdelay $0x4  }
0x1da: {  	v3 =	vshll.u32 v2, $0x4  }
0x1db: {  	v2 =	vand.u32 $0x7, v2;
	v3 =	vand.u32 $0xFFFFFF80, v3  }
0x1dc: {  	v2 =	vor.u32 v2, v3  }
0x1dd: {  	v2 =	vperm.xlane v2, v0;
	_ =	sdelay $0x1  }
0x1de: {  	v2 =	vadd.s32 v1, v2;
	_ =	sdelay $0x4  }
0x1df: {  	[tilespmem:s30], [sflag:$0x4] =	stream.indirect_vreg.gather [hbm4b:s2+s3], $0x80, v2, vm0, $0xb8;
	[tilespmem:$0x10200] =	vst v63  }
0x1e0: {  	p0 =	sne.s32 s17, $0x1C000  }
0x1e1: {  	[tilespmem:s15], [sflag:$0x4] =	stream.indirect_vreg.gather [hbm4b:s6+s3], $0x80, v2, vm0, $0xb8;
	[tilespmem:$0x10200] =	vst v63  }
0x1e2: {  	s21 =	simm.s32 $0x7A00;
	s13 =	simm.s32 $0x8200;
	s22 =	simm.s32 $0x8A00  }
0x1e3: {  	[tilespmem:s31], [sflag:$0x4] =	stream.indirect_vreg.gather [hbm4b:s5+s3], $0x80, v2, vm0, $0xb8;
	[tilespmem:$0x10200] =	vst v63  }
0x1e4: {  	s23 =	simm.s32 $0x9200;
	s24 =	simm.s32 $0x9A00;
	s25 =	simm.s32 $0xA200  }
0x1e5: {  	[tilespmem:s1], [sflag:$0x4] =	stream.indirect_vreg.gather [hbm4b:s7+s3], $0x80, v2, vm0, $0xb8;
	[tilespmem:$0x10200] =	vst v63  }
0x1e6: {  	s26 =	simm.s32 $0xAA00;
	s28 =	simm.s32 $0xB200;
	s29 =	simm.s32 $0xBA00  }
0x1e7: {  	[tilespmem:s20], [sflag:$0x4] =	stream.indirect_vreg.gather [hbm4b:s8+s3], $0x80, v2, vm0, $0xb8;
	[tilespmem:$0x10200] =	vst v63  }
0x1e8: {  	s17 =	sadd.s32 $0x2000, s17;
	s0 =	simm.s32 $0xE200;
	s19 =	simm.s32 $0xC200  }
0x1e9: {  	[tilespmem:s12], [sflag:$0x4] =	stream.indirect_vreg.gather [hbm4b:s9+s3], $0x80, v2, vm0, $0xb8;
	[tilespmem:$0x10200] =	vst v63  }
.Ltmp0:
0x1ea: {  	s16 =	sadd.s32 $0x20, s16;
	s30 =	simm.s32 $0xCA00;
	(pc) =	sbr.rel @p0 .LBB2_2-.Ltmp0, $4  }
0x1eb: {  	[tilespmem:s14], [sflag:$0x4] =	stream.indirect_vreg.gather [hbm4b:s10+s3], $0x80, v2, vm0, $0xb8;
	[tilespmem:$0x10200] =	vst v63  }
0x1ec: {  	s15 =	simm.s32 $0xD200;
	s31 =	simm.s32 $0xDA00;
	s20 =	simm.s32 $0xEA00  }
0x1ed: {  	[tilespmem:s4], [sflag:$0x4] =	stream.indirect_vreg.gather [hbm4b:s11+s3], $0x80, v2, vm0, $0xb8;
	[tilespmem:$0x10200] =	vst v63  }
0x1ee: {  	s12 =	simm.s32 $0xF200;
	s14 =	simm.s32 $0xFA00;
	s4 =	simm.s32 $0x1  }
0x1ef: {  	_ =	swait.ge [sflag:s4], $0x4000  }
0x1f0: {  	[sflag:s4] =	ssyncset.done $0x0  }
0x1f1: {  	s16 =	simm.s32 $0x200;
	s17 =	rddreg [dreg:$0x9];
	[sflag:s4] =	ssyncadd.s32 $0xFFFFC000  }
0x1f2: {  	[hbm4b:s17+s3] =	stream.linear.scatter [tilespmem:s16], [sflag:$0x5], $0x200, $0x38;
	[tilespmem:$0x10200] =	vst v63  }
0x1f3: {  	s1 =	simm.s32 $0x600;
	s18 =	sadd.s32 $0x40, s17  }
0x1f4: {  	[hbm4b:s18+s3] =	stream.linear.scatter [tilespmem:s1], [sflag:$0x5], $0x200, $0x38;
	[tilespmem:$0x10200] =	vst v63  }
0x1f5: {  	s1 =	sadd.s32 $0x80, s17;
	s18 =	simm.s32 $0xA00  }
0x1f6: {  	[hbm4b:s1+s3] =	stream.linear.scatter [tilespmem:s18], [sflag:$0x5], $0x200, $0x38;
	[tilespmem:$0x10200] =	vst v63  }
0x1f7: {  	s1 =	sadd.s32 $0xC0, s17;
	s18 =	simm.s32 $0xE00  }
0x1f8: {  	[hbm4b:s1+s3] =	stream.linear.scatter [tilespmem:s18], [sflag:$0x5], $0x200, $0x38;
	[tilespmem:$0x10200] =	vst v63  }
0x1f9: {  	s18 =	sadd.s32 $0x100, s17;
	s1 =	simm.s32 $0x1200  }
0x1fa: {  	[hbm4b:s18+s3] =	stream.linear.scatter [tilespmem:s1], [sflag:$0x5], $0x200, $0x38;
	[tilespmem:$0x10200] =	vst v63  }
0x1fb: {  	s1 =	sadd.s32 $0x140, s17;
	s18 =	simm.s32 $0x1600  }
0x1fc: {  	[hbm4b:s1+s3] =	stream.linear.scatter [tilespmem:s18], [sflag:$0x5], $0x200, $0x38;
	[tilespmem:$0x10200] =	vst v63  }
0x1fd: {  	s18 =	sadd.s32 $0x180, s17;
	s1 =	simm.s32 $0x1A00  }
0x1fe: {  	[hbm4b:s18+s3] =	stream.linear.scatter [tilespmem:s1], [sflag:$0x5], $0x200, $0x38;
	[tilespmem:$0x10200] =	vst v63  }
0x1ff: {  	s1 =	sadd.s32 $0x1C0, s17;
	s18 =	simm.s32 $0x1E00  }
0x200: {  	[hbm4b:s1+s3] =	stream.linear.scatter [tilespmem:s18], [sflag:$0x5], $0x200, $0x38;
	[tilespmem:$0x10200] =	vst v63  }
0x201: {  	s18 =	sadd.s32 $0x200, s17;
	s1 =	simm.s32 $0x2200  }
0x202: {  	[hbm4b:s18+s3] =	stream.linear.scatter [tilespmem:s1], [sflag:$0x5], $0x200, $0x38;
	[tilespmem:$0x10200] =	vst v63  }
0x203: {  	s1 =	sadd.s32 $0x240, s17;
	s18 =	simm.s32 $0x2600  }
0x204: {  	[hbm4b:s1+s3] =	stream.linear.scatter [tilespmem:s18], [sflag:$0x5], $0x200, $0x38;
	[tilespmem:$0x10200] =	vst v63  }
0x205: {  	s18 =	sadd.s32 $0x280, s17;
	s1 =	simm.s32 $0x2A00  }
0x206: {  	[hbm4b:s18+s3] =	stream.linear.scatter [tilespmem:s1], [sflag:$0x5], $0x200, $0x38;
	[tilespmem:$0x10200] =	vst v63  }
0x207: {  	s1 =	sadd.s32 $0x2C0, s17;
	s18 =	simm.s32 $0x2E00  }
0x208: {  	[hbm4b:s1+s3] =	stream.linear.scatter [tilespmem:s18], [sflag:$0x5], $0x200, $0x38;
	[tilespmem:$0x10200] =	vst v63  }
0x209: {  	s18 =	sadd.s32 $0x300, s17;
	s1 =	simm.s32 $0x3200  }
0x20a: {  	[hbm4b:s18+s3] =	stream.linear.scatter [tilespmem:s1], [sflag:$0x5], $0x200, $0x38;
	[tilespmem:$0x10200] =	vst v63  }
0x20b: {  	s1 =	sadd.s32 $0x340, s17;
	s18 =	simm.s32 $0x3600  }
0x20c: {  	[hbm4b:s1+s3] =	stream.linear.scatter [tilespmem:s18], [sflag:$0x5], $0x200, $0x38;
	[tilespmem:$0x10200] =	vst v63  }
0x20d: {  	s18 =	sadd.s32 $0x380, s17;
	s1 =	simm.s32 $0x3A00  }
0x20e: {  	[hbm4b:s18+s3] =	stream.linear.scatter [tilespmem:s1], [sflag:$0x5], $0x200, $0x38;
	[tilespmem:$0x10200] =	vst v63  }
0x20f: {  	s1 =	sadd.s32 $0x3C0, s17;
	s17 =	simm.s32 $0x3E00  }
0x210: {  	[hbm4b:s1+s3] =	stream.linear.scatter [tilespmem:s17], [sflag:$0x5], $0x200, $0x38;
	[tilespmem:$0x10200] =	vst v63  }
0x211: {  	s18 =	simm.s32 $0x400;
	s17 =	rddreg [dreg:$0xa]  }
0x212: {  	[hbm4b:s17+s3] =	stream.linear.scatter [tilespmem:s18], [sflag:$0x5], $0x200, $0x38;
	[tilespmem:$0x10200] =	vst v63  }
0x213: {  	s1 =	sadd.s32 $0x40, s17;
	s18 =	simm.s32 $0x800  }
0x214: {  	[hbm4b:s1+s3] =	stream.linear.scatter [tilespmem:s18], [sflag:$0x5], $0x200, $0x38;
	[tilespmem:$0x10200] =	vst v63  }
0x215: {  	s1 =	sadd.s32 $0x80, s17;
	s18 =	simm.s32 $0xC00  }
0x216: {  	[hbm4b:s1+s3] =	stream.linear.scatter [tilespmem:s18], [sflag:$0x5], $0x200, $0x38;
	[tilespmem:$0x10200] =	vst v63  }
0x217: {  	s1 =	sadd.s32 $0xC0, s17;
	s18 =	simm.s32 $0x1000  }
0x218: {  	[hbm4b:s1+s3] =	stream.linear.scatter [tilespmem:s18], [sflag:$0x5], $0x200, $0x38;
	[tilespmem:$0x10200] =	vst v63  }
0x219: {  	s1 =	sadd.s32 $0x100, s17;
	s18 =	simm.s32 $0x1400  }
0x21a: {  	[hbm4b:s1+s3] =	stream.linear.scatter [tilespmem:s18], [sflag:$0x5], $0x200, $0x38;
	[tilespmem:$0x10200] =	vst v63  }
0x21b: {  	s1 =	sadd.s32 $0x140, s17;
	s18 =	simm.s32 $0x1800  }
0x21c: {  	[hbm4b:s1+s3] =	stream.linear.scatter [tilespmem:s18], [sflag:$0x5], $0x200, $0x38;
	[tilespmem:$0x10200] =	vst v63  }
0x21d: {  	s1 =	sadd.s32 $0x180, s17;
	s18 =	simm.s32 $0x1C00  }
0x21e: {  	[hbm4b:s1+s3] =	stream.linear.scatter [tilespmem:s18], [sflag:$0x5], $0x200, $0x38;
	[tilespmem:$0x10200] =	vst v63  }
0x21f: {  	s1 =	sadd.s32 $0x1C0, s17;
	s18 =	simm.s32 $0x2000  }
0x220: {  	[hbm4b:s1+s3] =	stream.linear.scatter [tilespmem:s18], [sflag:$0x5], $0x200, $0x38;
	[tilespmem:$0x10200] =	vst v63  }
0x221: {  	s1 =	sadd.s32 $0x200, s17;
	s18 =	simm.s32 $0x2400  }
0x222: {  	[hbm4b:s1+s3] =	stream.linear.scatter [tilespmem:s18], [sflag:$0x5], $0x200, $0x38;
	[tilespmem:$0x10200] =	vst v63  }
0x223: {  	s1 =	sadd.s32 $0x240, s17;
	s18 =	simm.s32 $0x2800  }
0x224: {  	[hbm4b:s1+s3] =	stream.linear.scatter [tilespmem:s18], [sflag:$0x5], $0x200, $0x38;
	[tilespmem:$0x10200] =	vst v63  }
0x225: {  	s1 =	sadd.s32 $0x280, s17;
	s18 =	simm.s32 $0x2C00  }
0x226: {  	[hbm4b:s1+s3] =	stream.linear.scatter [tilespmem:s18], [sflag:$0x5], $0x200, $0x38;
	[tilespmem:$0x10200] =	vst v63  }
0x227: {  	s1 =	sadd.s32 $0x2C0, s17;
	s18 =	simm.s32 $0x3000  }
0x228: {  	[hbm4b:s1+s3] =	stream.linear.scatter [tilespmem:s18], [sflag:$0x5], $0x200, $0x38;
	[tilespmem:$0x10200] =	vst v63  }
0x229: {  	s1 =	sadd.s32 $0x300, s17;
	s18 =	simm.s32 $0x3400  }
0x22a: {  	[hbm4b:s1+s3] =	stream.linear.scatter [tilespmem:s18], [sflag:$0x5], $0x200, $0x38;
	[tilespmem:$0x10200] =	vst v63  }
0x22b: {  	s1 =	sadd.s32 $0x340, s17;
	s18 =	simm.s32 $0x3800  }
0x22c: {  	[hbm4b:s1+s3] =	stream.linear.scatter [tilespmem:s18], [sflag:$0x5], $0x200, $0x38;
	[tilespmem:$0x10200] =	vst v63  }
0x22d: {  	s1 =	sadd.s32 $0x380, s17;
	s18 =	simm.s32 $0x3C00  }
0x22e: {  	[hbm4b:s1+s3] =	stream.linear.scatter [tilespmem:s18], [sflag:$0x5], $0x200, $0x38;
	[tilespmem:$0x10200] =	vst v63  }
0x22f: {  	s17 =	sadd.s32 $0x3C0, s17;
	s18 =	simm.s32 $0x4000  }
0x230: {  	[hbm4b:s17+s3] =	stream.linear.scatter [tilespmem:s18], [sflag:$0x5], $0x200, $0x38;
	[tilespmem:$0x10200] =	vst v63  }
0x231: {  	s17 =	simm.s32 $0x2  }
0x232: {  	_ =	swait.ge [sflag:s17], $0x4000  }
0x233: {  	[sflag:s17] =	ssyncset.done $0x0  }
0x234: {  	s18 =	simm.s32 $0x4200;
	[sflag:s17] =	ssyncadd.s32 $0xFFFFC000;
	s17 =	rddreg [dreg:$0xb]  }
0x235: {  	[hbm4b:s17+s3] =	stream.linear.scatter [tilespmem:s18], [sflag:$0x6], $0x200, $0x38;
	[tilespmem:$0x10200] =	vst v63  }
0x236: {  	s1 =	sadd.s32 $0x40, s17;
	s18 =	simm.s32 $0x4600  }
0x237: {  	[hbm4b:s1+s3] =	stream.linear.scatter [tilespmem:s18], [sflag:$0x6], $0x200, $0x38;
	[tilespmem:$0x10200] =	vst v63  }
0x238: {  	s1 =	sadd.s32 $0x80, s17;
	s18 =	simm.s32 $0x4A00  }
0x239: {  	[hbm4b:s1+s3] =	stream.linear.scatter [tilespmem:s18], [sflag:$0x6], $0x200, $0x38;
	[tilespmem:$0x10200] =	vst v63  }
0x23a: {  	s1 =	sadd.s32 $0xC0, s17;
	s18 =	simm.s32 $0x4E00  }
0x23b: {  	[hbm4b:s1+s3] =	stream.linear.scatter [tilespmem:s18], [sflag:$0x6], $0x200, $0x38;
	[tilespmem:$0x10200] =	vst v63  }
0x23c: {  	s1 =	sadd.s32 $0x100, s17;
	s18 =	simm.s32 $0x5200  }
0x23d: {  	[hbm4b:s1+s3] =	stream.linear.scatter [tilespmem:s18], [sflag:$0x6], $0x200, $0x38;
	[tilespmem:$0x10200] =	vst v63  }
0x23e: {  	s1 =	sadd.s32 $0x140, s17;
	s18 =	simm.s32 $0x5600  }
0x23f: {  	[hbm4b:s1+s3] =	stream.linear.scatter [tilespmem:s18], [sflag:$0x6], $0x200, $0x38;
	[tilespmem:$0x10200] =	vst v63  }
0x240: {  	s1 =	sadd.s32 $0x180, s17;
	s18 =	simm.s32 $0x5A00  }
0x241: {  	[hbm4b:s1+s3] =	stream.linear.scatter [tilespmem:s18], [sflag:$0x6], $0x200, $0x38;
	[tilespmem:$0x10200] =	vst v63  }
0x242: {  	s1 =	sadd.s32 $0x1C0, s17;
	s18 =	simm.s32 $0x5E00  }
0x243: {  	[hbm4b:s1+s3] =	stream.linear.scatter [tilespmem:s18], [sflag:$0x6], $0x200, $0x38;
	[tilespmem:$0x10200] =	vst v63  }
0x244: {  	s1 =	sadd.s32 $0x200, s17;
	s18 =	simm.s32 $0x6200  }
0x245: {  	[hbm4b:s1+s3] =	stream.linear.scatter [tilespmem:s18], [sflag:$0x6], $0x200, $0x38;
	[tilespmem:$0x10200] =	vst v63  }
0x246: {  	s1 =	sadd.s32 $0x240, s17;
	s18 =	simm.s32 $0x6600  }
0x247: {  	[hbm4b:s1+s3] =	stream.linear.scatter [tilespmem:s18], [sflag:$0x6], $0x200, $0x38;
	[tilespmem:$0x10200] =	vst v63  }
0x248: {  	s1 =	sadd.s32 $0x280, s17;
	s18 =	simm.s32 $0x6A00  }
0x249: {  	[hbm4b:s1+s3] =	stream.linear.scatter [tilespmem:s18], [sflag:$0x6], $0x200, $0x38;
	[tilespmem:$0x10200] =	vst v63  }
0x24a: {  	s1 =	sadd.s32 $0x2C0, s17;
	s18 =	simm.s32 $0x6E00  }
0x24b: {  	[hbm4b:s1+s3] =	stream.linear.scatter [tilespmem:s18], [sflag:$0x6], $0x200, $0x38;
	[tilespmem:$0x10200] =	vst v63  }
0x24c: {  	s1 =	sadd.s32 $0x300, s17;
	s18 =	simm.s32 $0x7200  }
0x24d: {  	[hbm4b:s1+s3] =	stream.linear.scatter [tilespmem:s18], [sflag:$0x6], $0x200, $0x38;
	[tilespmem:$0x10200] =	vst v63  }
0x24e: {  	s1 =	sadd.s32 $0x340, s17;
	s18 =	simm.s32 $0x7600  }
0x24f: {  	[hbm4b:s1+s3] =	stream.linear.scatter [tilespmem:s18], [sflag:$0x6], $0x200, $0x38;
	[tilespmem:$0x10200] =	vst v63  }
0x250: {  	s18 =	sadd.s32 $0x380, s17  }
0x251: {  	[hbm4b:s18+s3] =	stream.linear.scatter [tilespmem:s21], [sflag:$0x6], $0x200, $0x38;
	[tilespmem:$0x10200] =	vst v63  }
0x252: {  	s1 =	sadd.s32 $0x3C0, s17;
	s17 =	simm.s32 $0x7E00  }
0x253: {  	[hbm4b:s1+s3] =	stream.linear.scatter [tilespmem:s17], [sflag:$0x6], $0x200, $0x38;
	[tilespmem:$0x10200] =	vst v63  }
0x254: {  	s18 =	simm.s32 $0x4400;
	s17 =	rddreg [dreg:$0xc]  }
0x255: {  	[hbm4b:s17+s3] =	stream.linear.scatter [tilespmem:s18], [sflag:$0x6], $0x200, $0x38;
	[tilespmem:$0x10200] =	vst v63  }
0x256: {  	s1 =	sadd.s32 $0x40, s17;
	s18 =	simm.s32 $0x4800  }
0x257: {  	[hbm4b:s1+s3] =	stream.linear.scatter [tilespmem:s18], [sflag:$0x6], $0x200, $0x38;
	[tilespmem:$0x10200] =	vst v63  }
0x258: {  	s1 =	sadd.s32 $0x80, s17;
	s18 =	simm.s32 $0x4C00  }
0x259: {  	[hbm4b:s1+s3] =	stream.linear.scatter [tilespmem:s18], [sflag:$0x6], $0x200, $0x38;
	[tilespmem:$0x10200] =	vst v63  }
0x25a: {  	s1 =	sadd.s32 $0xC0, s17;
	s18 =	simm.s32 $0x5000  }
0x25b: {  	[hbm4b:s1+s3] =	stream.linear.scatter [tilespmem:s18], [sflag:$0x6], $0x200, $0x38;
	[tilespmem:$0x10200] =	vst v63  }
0x25c: {  	s1 =	sadd.s32 $0x100, s17;
	s18 =	simm.s32 $0x5400  }
0x25d: {  	[hbm4b:s1+s3] =	stream.linear.scatter [tilespmem:s18], [sflag:$0x6], $0x200, $0x38;
	[tilespmem:$0x10200] =	vst v63  }
0x25e: {  	s1 =	sadd.s32 $0x140, s17;
	s18 =	simm.s32 $0x5800  }
0x25f: {  	[hbm4b:s1+s3] =	stream.linear.scatter [tilespmem:s18], [sflag:$0x6], $0x200, $0x38;
	[tilespmem:$0x10200] =	vst v63  }
0x260: {  	s1 =	sadd.s32 $0x180, s17;
	s18 =	simm.s32 $0x5C00  }
0x261: {  	[hbm4b:s1+s3] =	stream.linear.scatter [tilespmem:s18], [sflag:$0x6], $0x200, $0x38;
	[tilespmem:$0x10200] =	vst v63  }
0x262: {  	s1 =	sadd.s32 $0x1C0, s17;
	s18 =	simm.s32 $0x6000  }
0x263: {  	[hbm4b:s1+s3] =	stream.linear.scatter [tilespmem:s18], [sflag:$0x6], $0x200, $0x38;
	[tilespmem:$0x10200] =	vst v63  }
0x264: {  	s1 =	sadd.s32 $0x200, s17;
	s18 =	simm.s32 $0x6400  }
0x265: {  	[hbm4b:s1+s3] =	stream.linear.scatter [tilespmem:s18], [sflag:$0x6], $0x200, $0x38;
	[tilespmem:$0x10200] =	vst v63  }
0x266: {  	s1 =	sadd.s32 $0x240, s17;
	s18 =	simm.s32 $0x6800  }
0x267: {  	[hbm4b:s1+s3] =	stream.linear.scatter [tilespmem:s18], [sflag:$0x6], $0x200, $0x38;
	[tilespmem:$0x10200] =	vst v63  }
0x268: {  	s1 =	sadd.s32 $0x280, s17;
	s18 =	simm.s32 $0x6C00  }
0x269: {  	[hbm4b:s1+s3] =	stream.linear.scatter [tilespmem:s18], [sflag:$0x6], $0x200, $0x38;
	[tilespmem:$0x10200] =	vst v63  }
0x26a: {  	s1 =	sadd.s32 $0x2C0, s17;
	s18 =	simm.s32 $0x7000  }
0x26b: {  	[hbm4b:s1+s3] =	stream.linear.scatter [tilespmem:s18], [sflag:$0x6], $0x200, $0x38;
	[tilespmem:$0x10200] =	vst v63  }
0x26c: {  	s1 =	sadd.s32 $0x300, s17;
	s18 =	simm.s32 $0x7400  }
0x26d: {  	[hbm4b:s1+s3] =	stream.linear.scatter [tilespmem:s18], [sflag:$0x6], $0x200, $0x38;
	[tilespmem:$0x10200] =	vst v63  }
0x26e: {  	s1 =	sadd.s32 $0x340, s17;
	s18 =	simm.s32 $0x7800  }
0x26f: {  	[hbm4b:s1+s3] =	stream.linear.scatter [tilespmem:s18], [sflag:$0x6], $0x200, $0x38;
	[tilespmem:$0x10200] =	vst v63  }
0x270: {  	s1 =	sadd.s32 $0x380, s17;
	s18 =	simm.s32 $0x7C00  }
0x271: {  	[hbm4b:s1+s3] =	stream.linear.scatter [tilespmem:s18], [sflag:$0x6], $0x200, $0x38;
	[tilespmem:$0x10200] =	vst v63  }
0x272: {  	s1 =	sadd.s32 $0x3C0, s17;
	s17 =	simm.s32 $0x8000;
	s18 =	simm.s32 $0x3  }
0x273: {  	[hbm4b:s1+s3] =	stream.linear.scatter [tilespmem:s17], [sflag:$0x6], $0x200, $0x38;
	[tilespmem:$0x10200] =	vst v63  }
0x274: {  	_ =	swait.ge [sflag:s18], $0x4000  }
0x275: {  	[sflag:s18] =	ssyncset.done $0x0  }
0x276: {  	s17 =	rddreg [dreg:$0xd];
	[sflag:s18] =	ssyncadd.s32 $0xFFFFC000  }
0x277: {  	[hbm4b:s17+s3] =	stream.linear.scatter [tilespmem:s13], [sflag:$0x7], $0x200, $0x38;
	[tilespmem:$0x10200] =	vst v63  }
0x278: {  	s1 =	sadd.s32 $0x40, s17;
	s18 =	simm.s32 $0x8600  }
0x279: {  	[hbm4b:s1+s3] =	stream.linear.scatter [tilespmem:s18], [sflag:$0x7], $0x200, $0x38;
	[tilespmem:$0x10200] =	vst v63  }
0x27a: {  	s18 =	sadd.s32 $0x80, s17  }
0x27b: {  	[hbm4b:s18+s3] =	stream.linear.scatter [tilespmem:s22], [sflag:$0x7], $0x200, $0x38;
	[tilespmem:$0x10200] =	vst v63  }
0x27c: {  	s1 =	sadd.s32 $0xC0, s17;
	s18 =	simm.s32 $0x8E00  }
0x27d: {  	[hbm4b:s1+s3] =	stream.linear.scatter [tilespmem:s18], [sflag:$0x7], $0x200, $0x38;
	[tilespmem:$0x10200] =	vst v63  }
0x27e: {  	s18 =	sadd.s32 $0x100, s17  }
0x27f: {  	[hbm4b:s18+s3] =	stream.linear.scatter [tilespmem:s23], [sflag:$0x7], $0x200, $0x38;
	[tilespmem:$0x10200] =	vst v63  }
0x280: {  	s1 =	sadd.s32 $0x140, s17;
	s18 =	simm.s32 $0x9600  }
0x281: {  	[hbm4b:s1+s3] =	stream.linear.scatter [tilespmem:s18], [sflag:$0x7], $0x200, $0x38;
	[tilespmem:$0x10200] =	vst v63  }
0x282: {  	s18 =	sadd.s32 $0x180, s17  }
0x283: {  	[hbm4b:s18+s3] =	stream.linear.scatter [tilespmem:s24], [sflag:$0x7], $0x200, $0x38;
	[tilespmem:$0x10200] =	vst v63  }
0x284: {  	s1 =	sadd.s32 $0x1C0, s17;
	s18 =	simm.s32 $0x9E00  }
0x285: {  	[hbm4b:s1+s3] =	stream.linear.scatter [tilespmem:s18], [sflag:$0x7], $0x200, $0x38;
	[tilespmem:$0x10200] =	vst v63  }
0x286: {  	s18 =	sadd.s32 $0x200, s17  }
0x287: {  	[hbm4b:s18+s3] =	stream.linear.scatter [tilespmem:s25], [sflag:$0x7], $0x200, $0x38;
	[tilespmem:$0x10200] =	vst v63  }
0x288: {  	s1 =	sadd.s32 $0x240, s17;
	s18 =	simm.s32 $0xA600  }
0x289: {  	[hbm4b:s1+s3] =	stream.linear.scatter [tilespmem:s18], [sflag:$0x7], $0x200, $0x38;
	[tilespmem:$0x10200] =	vst v63  }
0x28a: {  	s18 =	sadd.s32 $0x280, s17  }
0x28b: {  	[hbm4b:s18+s3] =	stream.linear.scatter [tilespmem:s26], [sflag:$0x7], $0x200, $0x38;
	[tilespmem:$0x10200] =	vst v63  }
0x28c: {  	s1 =	sadd.s32 $0x2C0, s17;
	s18 =	simm.s32 $0xAE00  }
0x28d: {  	[hbm4b:s1+s3] =	stream.linear.scatter [tilespmem:s18], [sflag:$0x7], $0x200, $0x38;
	[tilespmem:$0x10200] =	vst v63  }
0x28e: {  	s18 =	sadd.s32 $0x300, s17  }
0x28f: {  	[hbm4b:s18+s3] =	stream.linear.scatter [tilespmem:s28], [sflag:$0x7], $0x200, $0x38;
	[tilespmem:$0x10200] =	vst v63  }
0x290: {  	s1 =	sadd.s32 $0x340, s17;
	s18 =	simm.s32 $0xB600  }
0x291: {  	[hbm4b:s1+s3] =	stream.linear.scatter [tilespmem:s18], [sflag:$0x7], $0x200, $0x38;
	[tilespmem:$0x10200] =	vst v63  }
0x292: {  	s18 =	sadd.s32 $0x380, s17  }
0x293: {  	[hbm4b:s18+s3] =	stream.linear.scatter [tilespmem:s29], [sflag:$0x7], $0x200, $0x38;
	[tilespmem:$0x10200] =	vst v63  }
0x294: {  	s1 =	sadd.s32 $0x3C0, s17;
	s17 =	simm.s32 $0xBE00  }
0x295: {  	[hbm4b:s1+s3] =	stream.linear.scatter [tilespmem:s17], [sflag:$0x7], $0x200, $0x38;
	[tilespmem:$0x10200] =	vst v63  }
0x296: {  	s18 =	simm.s32 $0x8400;
	s17 =	rddreg [dreg:$0xe]  }
0x297: {  	[hbm4b:s17+s3] =	stream.linear.scatter [tilespmem:s18], [sflag:$0x7], $0x200, $0x38;
	[tilespmem:$0x10200] =	vst v63  }
0x298: {  	s1 =	sadd.s32 $0x40, s17;
	s18 =	simm.s32 $0x8800  }
0x299: {  	[hbm4b:s1+s3] =	stream.linear.scatter [tilespmem:s18], [sflag:$0x7], $0x200, $0x38;
	[tilespmem:$0x10200] =	vst v63  }
0x29a: {  	s1 =	sadd.s32 $0x80, s17;
	s18 =	simm.s32 $0x8C00  }
0x29b: {  	[hbm4b:s1+s3] =	stream.linear.scatter [tilespmem:s18], [sflag:$0x7], $0x200, $0x38;
	[tilespmem:$0x10200] =	vst v63  }
0x29c: {  	s1 =	sadd.s32 $0xC0, s17;
	s18 =	simm.s32 $0x9000  }
0x29d: {  	[hbm4b:s1+s3] =	stream.linear.scatter [tilespmem:s18], [sflag:$0x7], $0x200, $0x38;
	[tilespmem:$0x10200] =	vst v63  }
0x29e: {  	s1 =	sadd.s32 $0x100, s17;
	s18 =	simm.s32 $0x9400  }
0x29f: {  	[hbm4b:s1+s3] =	stream.linear.scatter [tilespmem:s18], [sflag:$0x7], $0x200, $0x38;
	[tilespmem:$0x10200] =	vst v63  }
0x2a0: {  	s1 =	sadd.s32 $0x140, s17;
	s18 =	simm.s32 $0x9800  }
0x2a1: {  	[hbm4b:s1+s3] =	stream.linear.scatter [tilespmem:s18], [sflag:$0x7], $0x200, $0x38;
	[tilespmem:$0x10200] =	vst v63  }
0x2a2: {  	s1 =	sadd.s32 $0x180, s17;
	s18 =	simm.s32 $0x9C00  }
0x2a3: {  	[hbm4b:s1+s3] =	stream.linear.scatter [tilespmem:s18], [sflag:$0x7], $0x200, $0x38;
	[tilespmem:$0x10200] =	vst v63  }
0x2a4: {  	s1 =	sadd.s32 $0x1C0, s17;
	s18 =	simm.s32 $0xA000  }
0x2a5: {  	[hbm4b:s1+s3] =	stream.linear.scatter [tilespmem:s18], [sflag:$0x7], $0x200, $0x38;
	[tilespmem:$0x10200] =	vst v63  }
0x2a6: {  	s1 =	sadd.s32 $0x200, s17;
	s18 =	simm.s32 $0xA400  }
0x2a7: {  	[hbm4b:s1+s3] =	stream.linear.scatter [tilespmem:s18], [sflag:$0x7], $0x200, $0x38;
	[tilespmem:$0x10200] =	vst v63  }
0x2a8: {  	s1 =	sadd.s32 $0x240, s17;
	s18 =	simm.s32 $0xA800  }
0x2a9: {  	[hbm4b:s1+s3] =	stream.linear.scatter [tilespmem:s18], [sflag:$0x7], $0x200, $0x38;
	[tilespmem:$0x10200] =	vst v63  }
0x2aa: {  	s1 =	sadd.s32 $0x280, s17;
	s18 =	simm.s32 $0xAC00  }
0x2ab: {  	[hbm4b:s1+s3] =	stream.linear.scatter [tilespmem:s18], [sflag:$0x7], $0x200, $0x38;
	[tilespmem:$0x10200] =	vst v63  }
0x2ac: {  	s1 =	sadd.s32 $0x2C0, s17;
	s18 =	simm.s32 $0xB000  }
0x2ad: {  	[hbm4b:s1+s3] =	stream.linear.scatter [tilespmem:s18], [sflag:$0x7], $0x200, $0x38;
	[tilespmem:$0x10200] =	vst v63  }
0x2ae: {  	s1 =	sadd.s32 $0x300, s17;
	s18 =	simm.s32 $0xB400  }
0x2af: {  	[hbm4b:s1+s3] =	stream.linear.scatter [tilespmem:s18], [sflag:$0x7], $0x200, $0x38;
	[tilespmem:$0x10200] =	vst v63  }
0x2b0: {  	s1 =	sadd.s32 $0x340, s17;
	s18 =	simm.s32 $0xB800  }
0x2b1: {  	[hbm4b:s1+s3] =	stream.linear.scatter [tilespmem:s18], [sflag:$0x7], $0x200, $0x38;
	[tilespmem:$0x10200] =	vst v63  }
0x2b2: {  	s1 =	sadd.s32 $0x380, s17;
	s18 =	simm.s32 $0xBC00  }
0x2b3: {  	[hbm4b:s1+s3] =	stream.linear.scatter [tilespmem:s18], [sflag:$0x7], $0x200, $0x38;
	[tilespmem:$0x10200] =	vst v63  }
0x2b4: {  	s1 =	sadd.s32 $0x3C0, s17;
	s17 =	simm.s32 $0xC000;
	s18 =	simm.s32 $0x4  }
0x2b5: {  	[hbm4b:s1+s3] =	stream.linear.scatter [tilespmem:s17], [sflag:$0x7], $0x200, $0x38;
	[tilespmem:$0x10200] =	vst v63  }
0x2b6: {  	_ =	swait.ge [sflag:s18], $0x4000  }
0x2b7: {  	[sflag:s18] =	ssyncset.done $0x0  }
0x2b8: {  	s17 =	rddreg [dreg:$0xf];
	[sflag:s18] =	ssyncadd.s32 $0xFFFFC000  }
0x2b9: {  	[hbm4b:s17+s3] =	stream.linear.scatter [tilespmem:s19], [sflag:$0x8], $0x200, $0x38;
	[tilespmem:$0x10200] =	vst v63  }
0x2ba: {  	s1 =	sadd.s32 $0x40, s17;
	s18 =	simm.s32 $0xC600  }
0x2bb: {  	[hbm4b:s1+s3] =	stream.linear.scatter [tilespmem:s18], [sflag:$0x8], $0x200, $0x38;
	[tilespmem:$0x10200] =	vst v63  }
0x2bc: {  	s18 =	sadd.s32 $0x80, s17  }
0x2bd: {  	[hbm4b:s18+s3] =	stream.linear.scatter [tilespmem:s30], [sflag:$0x8], $0x200, $0x38;
	[tilespmem:$0x10200] =	vst v63  }
0x2be: {  	s1 =	sadd.s32 $0xC0, s17;
	s18 =	simm.s32 $0xCE00  }
0x2bf: {  	[hbm4b:s1+s3] =	stream.linear.scatter [tilespmem:s18], [sflag:$0x8], $0x200, $0x38;
	[tilespmem:$0x10200] =	vst v63  }
0x2c0: {  	s18 =	sadd.s32 $0x100, s17  }
0x2c1: {  	[hbm4b:s18+s3] =	stream.linear.scatter [tilespmem:s15], [sflag:$0x8], $0x200, $0x38;
	[tilespmem:$0x10200] =	vst v63  }
0x2c2: {  	s1 =	sadd.s32 $0x140, s17;
	s18 =	simm.s32 $0xD600  }
0x2c3: {  	[hbm4b:s1+s3] =	stream.linear.scatter [tilespmem:s18], [sflag:$0x8], $0x200, $0x38;
	[tilespmem:$0x10200] =	vst v63  }
0x2c4: {  	s18 =	sadd.s32 $0x180, s17  }
0x2c5: {  	[hbm4b:s18+s3] =	stream.linear.scatter [tilespmem:s31], [sflag:$0x8], $0x200, $0x38;
	[tilespmem:$0x10200] =	vst v63  }
0x2c6: {  	s1 =	sadd.s32 $0x1C0, s17;
	s18 =	simm.s32 $0xDE00  }
0x2c7: {  	[hbm4b:s1+s3] =	stream.linear.scatter [tilespmem:s18], [sflag:$0x8], $0x200, $0x38;
	[tilespmem:$0x10200] =	vst v63  }
0x2c8: {  	s18 =	sadd.s32 $0x200, s17  }
0x2c9: {  	[hbm4b:s18+s3] =	stream.linear.scatter [tilespmem:s0], [sflag:$0x8], $0x200, $0x38;
	[tilespmem:$0x10200] =	vst v63  }
0x2ca: {  	s1 =	sadd.s32 $0x240, s17;
	s18 =	simm.s32 $0xE600  }
0x2cb: {  	[hbm4b:s1+s3] =	stream.linear.scatter [tilespmem:s18], [sflag:$0x8], $0x200, $0x38;
	[tilespmem:$0x10200] =	vst v63  }
0x2cc: {  	s18 =	sadd.s32 $0x280, s17  }
0x2cd: {  	[hbm4b:s18+s3] =	stream.linear.scatter [tilespmem:s20], [sflag:$0x8], $0x200, $0x38;
	[tilespmem:$0x10200] =	vst v63  }
0x2ce: {  	s1 =	sadd.s32 $0x2C0, s17;
	s18 =	simm.s32 $0xEE00  }
0x2cf: {  	[hbm4b:s1+s3] =	stream.linear.scatter [tilespmem:s18], [sflag:$0x8], $0x200, $0x38;
	[tilespmem:$0x10200] =	vst v63  }
0x2d0: {  	s18 =	sadd.s32 $0x300, s17  }
0x2d1: {  	[hbm4b:s18+s3] =	stream.linear.scatter [tilespmem:s12], [sflag:$0x8], $0x200, $0x38;
	[tilespmem:$0x10200] =	vst v63  }
0x2d2: {  	s1 =	sadd.s32 $0x340, s17;
	s18 =	simm.s32 $0xF600  }
0x2d3: {  	[hbm4b:s1+s3] =	stream.linear.scatter [tilespmem:s18], [sflag:$0x8], $0x200, $0x38;
	[tilespmem:$0x10200] =	vst v63  }
0x2d4: {  	s18 =	sadd.s32 $0x380, s17  }
0x2d5: {  	[hbm4b:s18+s3] =	stream.linear.scatter [tilespmem:s14], [sflag:$0x8], $0x200, $0x38;
	[tilespmem:$0x10200] =	vst v63  }
0x2d6: {  	s1 =	sadd.s32 $0x3C0, s17;
	s17 =	simm.s32 $0xFE00  }
0x2d7: {  	[hbm4b:s1+s3] =	stream.linear.scatter [tilespmem:s17], [sflag:$0x8], $0x200, $0x38;
	[tilespmem:$0x10200] =	vst v63  }
0x2d8: {  	s18 =	simm.s32 $0xC400;
	s17 =	rddreg [dreg:$0x10]  }
0x2d9: {  	[hbm4b:s17+s3] =	stream.linear.scatter [tilespmem:s18], [sflag:$0x8], $0x200, $0x38;
	[tilespmem:$0x10200] =	vst v63  }
0x2da: {  	s1 =	sadd.s32 $0x40, s17;
	s18 =	simm.s32 $0xC800  }
0x2db: {  	[hbm4b:s1+s3] =	stream.linear.scatter [tilespmem:s18], [sflag:$0x8], $0x200, $0x38;
	[tilespmem:$0x10200] =	vst v63  }
0x2dc: {  	s1 =	sadd.s32 $0x80, s17;
	s18 =	simm.s32 $0xCC00  }
0x2dd: {  	[hbm4b:s1+s3] =	stream.linear.scatter [tilespmem:s18], [sflag:$0x8], $0x200, $0x38;
	[tilespmem:$0x10200] =	vst v63  }
0x2de: {  	s1 =	sadd.s32 $0xC0, s17;
	s18 =	simm.s32 $0xD000  }
0x2df: {  	[hbm4b:s1+s3] =	stream.linear.scatter [tilespmem:s18], [sflag:$0x8], $0x200, $0x38;
	[tilespmem:$0x10200] =	vst v63  }
0x2e0: {  	s1 =	sadd.s32 $0x100, s17;
	s18 =	simm.s32 $0xD400  }
0x2e1: {  	[hbm4b:s1+s3] =	stream.linear.scatter [tilespmem:s18], [sflag:$0x8], $0x200, $0x38;
	[tilespmem:$0x10200] =	vst v63  }
0x2e2: {  	s1 =	sadd.s32 $0x140, s17;
	s18 =	simm.s32 $0xD800  }
0x2e3: {  	[hbm4b:s1+s3] =	stream.linear.scatter [tilespmem:s18], [sflag:$0x8], $0x200, $0x38;
	[tilespmem:$0x10200] =	vst v63  }
0x2e4: {  	s1 =	sadd.s32 $0x180, s17;
	s18 =	simm.s32 $0xDC00  }
0x2e5: {  	[hbm4b:s1+s3] =	stream.linear.scatter [tilespmem:s18], [sflag:$0x8], $0x200, $0x38;
	[tilespmem:$0x10200] =	vst v63  }
0x2e6: {  	s1 =	sadd.s32 $0x1C0, s17;
	s18 =	simm.s32 $0xE000  }
0x2e7: {  	[hbm4b:s1+s3] =	stream.linear.scatter [tilespmem:s18], [sflag:$0x8], $0x200, $0x38;
	[tilespmem:$0x10200] =	vst v63  }
0x2e8: {  	s1 =	sadd.s32 $0x200, s17;
	s18 =	simm.s32 $0xE400  }
0x2e9: {  	[hbm4b:s1+s3] =	stream.linear.scatter [tilespmem:s18], [sflag:$0x8], $0x200, $0x38;
	[tilespmem:$0x10200] =	vst v63  }
0x2ea: {  	s1 =	sadd.s32 $0x240, s17;
	s18 =	simm.s32 $0xE800  }
0x2eb: {  	[hbm4b:s1+s3] =	stream.linear.scatter [tilespmem:s18], [sflag:$0x8], $0x200, $0x38;
	[tilespmem:$0x10200] =	vst v63  }
0x2ec: {  	s1 =	sadd.s32 $0x280, s17;
	s18 =	simm.s32 $0xEC00  }
0x2ed: {  	[hbm4b:s1+s3] =	stream.linear.scatter [tilespmem:s18], [sflag:$0x8], $0x200, $0x38;
	[tilespmem:$0x10200] =	vst v63  }
0x2ee: {  	s1 =	sadd.s32 $0x2C0, s17;
	s18 =	simm.s32 $0xF000  }
0x2ef: {  	[hbm4b:s1+s3] =	stream.linear.scatter [tilespmem:s18], [sflag:$0x8], $0x200, $0x38;
	[tilespmem:$0x10200] =	vst v63  }
0x2f0: {  	s1 =	sadd.s32 $0x300, s17;
	s18 =	simm.s32 $0xF400  }
0x2f1: {  	[hbm4b:s1+s3] =	stream.linear.scatter [tilespmem:s18], [sflag:$0x8], $0x200, $0x38;
	[tilespmem:$0x10200] =	vst v63  }
0x2f2: {  	s1 =	sadd.s32 $0x340, s17;
	s18 =	simm.s32 $0xF800  }
0x2f3: {  	[hbm4b:s1+s3] =	stream.linear.scatter [tilespmem:s18], [sflag:$0x8], $0x200, $0x38;
	[tilespmem:$0x10200] =	vst v63  }
0x2f4: {  	s1 =	sadd.s32 $0x380, s17;
	s18 =	simm.s32 $0xFC00  }
0x2f5: {  	[hbm4b:s1+s3] =	stream.linear.scatter [tilespmem:s18], [sflag:$0x8], $0x200, $0x38;
	[tilespmem:$0x10200] =	vst v63  }
0x2f6: {  	s16 =	simm.s32 $0x5;
	s17 =	sadd.s32 $0x3C0, s17;
	s18 =	simm.s32 $0x10000  }
0x2f7: {  	[hbm4b:s17+s3] =	stream.linear.scatter [tilespmem:s18], [sflag:$0x8], $0x200, $0x38;
	[tilespmem:$0x10200] =	vst v63  }
0x2f8: {  	_ =	swait.ge [sflag:s16], $0x2000  }
0x2f9: {  	[sflag:s16] =	ssyncset.done $0x0  }
0x2fa: {  	[sflag:s16] =	ssyncadd.s32 $0xFFFFE000  }
0x2fb: {  	_ =	swait.ge [sflag:s16], $0x2000  }
0x2fc: {  	[sflag:s16] =	ssyncset.done $0x0  }
0x2fd: {  	s17 =	simm.s32 $0x6;
	[sflag:s16] =	ssyncadd.s32 $0xFFFFE000  }
0x2fe: {  	_ =	swait.ge [sflag:s17], $0x2000  }
0x2ff: {  	[sflag:s17] =	ssyncset.done $0x0  }
0x300: {  	[sflag:s17] =	ssyncadd.s32 $0xFFFFE000  }
0x301: {  	_ =	swait.ge [sflag:s17], $0x2000  }
0x302: {  	[sflag:s17] =	ssyncset.done $0x0  }
0x303: {  	s18 =	simm.s32 $0x7;
	[sflag:s17] =	ssyncadd.s32 $0xFFFFE000  }
0x304: {  	_ =	swait.ge [sflag:s18], $0x2000  }
0x305: {  	[sflag:s18] =	ssyncset.done $0x0  }
0x306: {  	[sflag:s18] =	ssyncadd.s32 $0xFFFFE000  }
0x307: {  	_ =	swait.ge [sflag:s18], $0x2000  }
0x308: {  	[sflag:s18] =	ssyncset.done $0x0  }
0x309: {  	s17 =	simm.s32 $0x8;
	[sflag:s18] =	ssyncadd.s32 $0xFFFFE000  }
0x30a: {  	_ =	swait.ge [sflag:s17], $0x2000  }
0x30b: {  	[sflag:s17] =	ssyncset.done $0x0  }
0x30c: {  	[sflag:s17] =	ssyncadd.s32 $0xFFFFE000  }
0x30d: {  	_ =	swait.ge [sflag:s17], $0x2000  }
0x30e: {  	s16 =	rddreg [dreg:$0x12]  }
0x30f: {  	s18 =	rddreg [dreg:$0x11];
	s1 =	sadd.s32 $0x1, s16  }
0x310: {  	p0 =	sne.s32 s1, s18  }
.Ltmp1:
0x311: {  	_ = 	snop;
	(pc) =	sbr.rel @p0 .LBB2_1-.Ltmp1, $3  }
0x312: {  	_ =	sdelay $0x1  }
0x313: {  	[sflag:s17] =	ssyncset.done $0x0  }
0x314: {  	[sflag:s17] =	ssyncadd.s32 $0xFFFFE000  }
0x315: {  	_ =	sfence.sel $0x180000  }
0x316: {  	[bflag:$0x0] =	sbarrier.arrive $0xFFFF  }
0x317: {  	_ =	strace $0x90000047  }
0x318: {  	s0 =	stileid.u32;
	[bflag:$0x2] =	sbarrier.arrive $0xFFFF  }
0x319: {  	p0 =	sne.s32 s0, $0x0;
	s0 =	rddreg [dreg:$0x3]  }
0x31a: {  	s0 =	sadd.s32 @!p0 $0x100000, s0  }
0x31b: {  	[sflag:s0] =	ssyncadd.tile.s32 @!p0 $0x1;
	_ =	shalt  }
.Lfunc_end2:
_tile_overlayer_lowered:
.L_overlay_start_2:
0x31c: {  	(tag) =	ssettag $0x2  }
0x31d: {  	s0 =	rddreg [dreg:$0x0];
	s2 =	stileid.u32  }
0x31e: {  	s1 =	rddreg [dreg:$0x1];
	p0 =	sne.s32 s2, $0x0  }
0x31f: {  	s3 =	rddreg [dreg:$0x2];
	[bflag:$0x3] =	sbarrier.arrive $0xFFFF;
	s2 =	simm.s32 @!p0 $0x1C09  }
0x320: {  	[timem:s3], [sflag:s2] =	dma.local @!p0 [hbm:s0], s1  }
0x321: {  	s0 =	simm.s32 @!p0 $0x9  }
0x322: {  	_ =	swait.ge @!p0 [sflag:s0], s1  }
0x323: {  	s1 =	ssub.s32 @!p0 $0x0, s1;
	[sflag:s0] =	ssyncset.done @!p0 $0x0  }
0x324: {  	[sflag:s0] =	ssyncadd.s32 @!p0 s1  }
0x325: {  	[bflag:$0x3] =	sbarrier.arrive $0xFFFF  }
0x326: {  	_ =	shalt  }

</sc_bundles>
